<compile_context>
chip_gen: v7x
topology: tpu7x:2x2x1
jax: 0.10.2.dev20260603
libtpu: 0.0.44.dev20260713+nightly
codegen_flags: <defaults>
</compile_context>

<pallas_src>
import functools
import math

import jax
import jax.numpy as jnp
from jax import lax
from jax.experimental import pallas as pl
from jax.experimental.pallas import tpu as pltpu
from jax.experimental.pallas import tpu_sc as plsc

ROWS = 16
COLS = 2048
L = 16
UNROLL = 8
HALF = COLS // 2
INV_N = 1.0 / (ROWS * COLS)

_mesh = plsc.VectorSubcoreMesh(core_axis_name="c", subcore_axis_name="s",
                               num_cores=1)


def _lane_allreduce(vec):
    lane = lax.iota(jnp.int32, L)
    for off in (1, 2, 4, 8):
        vec = vec + vec.at[lane ^ off].get(
            mode=lax.GatherScatterMode.PROMISE_IN_BOUNDS)
    return vec


@functools.partial(
    pl.kernel,
    mesh=_mesh,
    out_type=jax.ShapeDtypeStruct((L,), jnp.float32),
    scratch_types=[
        pltpu.VMEM((COLS,), jnp.float32),
        pltpu.VMEM((COLS,), jnp.float32),
        pltpu.VMEM((L,), jnp.float32),
        pltpu.VMEM((ROWS * L,), jnp.float32),
        pltpu.VMEM_SHARED((ROWS * L,), jnp.float32),
        pltpu.SemaphoreType.DMA,
        pltpu.SemaphoreType.DMA,
        pltpu.SemaphoreType.DMA,
        pltpu.SemaphoreType.DMA,
    ],
)
def _corr_mse_kernel(pred_hbm, label_hbm, out_hbm,
                     pred_v, label_v, part_v, fin_v, shared,
                     sem_p0, sem_l0, sem_p1, sem_l1):
    s = lax.axis_index("s")

    if True:
        cp_p0 = pltpu.async_copy(pred_hbm.at[s, pl.ds(0, HALF)],
                                 pred_v.at[pl.ds(0, HALF)], sem_p0)
        cp_l0 = pltpu.async_copy(label_hbm.at[s, pl.ds(0, HALF)],
                                 label_v.at[pl.ds(0, HALF)], sem_l0)
        cp_p1 = pltpu.async_copy(pred_hbm.at[s, pl.ds(HALF, HALF)],
                                 pred_v.at[pl.ds(HALF, HALF)], sem_p1)
        cp_l1 = pltpu.async_copy(label_hbm.at[s, pl.ds(HALF, HALF)],
                                 label_v.at[pl.ds(HALF, HALF)], sem_l1)

        zero = jnp.zeros((L,), jnp.float32)

        def half_loop(lo, carry_in):
            @plsc.parallel_loop(lo, lo + HALF // L, unroll=UNROLL,
                                carry=carry_in)
            def loop_carry(j, carry):
                sse, spos, sneg, nones = carry
                base = j * L
                p = pred_v[pl.ds(base, L)]
                lab = label_v[pl.ds(base, L)]
                nlab = 1.0 - lab
                d = p - lab
                t = jnp.exp(p * (nlab - lab))
                sse = sse + d * d
                spos = spos + lab * t
                sneg = sneg + nlab * t
                nones = nones + lab
                return sse, spos, sneg, nones
            return loop_carry

        cp_p0.wait()
        cp_l0.wait()
        carry = half_loop(0, (zero, zero, zero, zero))
        cp_p1.wait()
        cp_l1.wait()
        sse, spos, sneg, nones = half_loop(HALF // L, carry)

        sse_t = _lane_allreduce(sse)
        s_pos = _lane_allreduce(spos)
        s_neg = _lane_allreduce(sneg)
        n_one = _lane_allreduce(nones)
        n_zero = float(COLS) - n_one

        loss_both = s_pos * s_neg / jnp.maximum(n_one * n_zero, 1.0)
        loss_all_zero = s_neg * math.exp(-1.0) / jnp.maximum(n_zero, 1.0)
        loss_all_one = s_pos / jnp.maximum(n_one, 1.0)
        row_loss = jnp.where(
            n_one == 0.0, loss_all_zero,
            jnp.where(n_zero == 0.0, loss_all_one, loss_both))

        part_v[...] = row_loss + sse_t * INV_N
        pltpu.sync_copy(part_v, shared.at[pl.ds(s * L, L)])

    plsc.subcore_barrier()

    @pl.when(s == 0)
    def _combine():
        pltpu.sync_copy(shared, fin_v)
        acc = fin_v[pl.ds(0, L)]
        for i in range(1, ROWS):
            acc = acc + fin_v[pl.ds(i * L, L)]
        part_v[...] = acc
        pltpu.sync_copy(part_v, out_hbm)


def kernel(pred, label):
    out = _corr_mse_kernel(pred, label)
    return out[0]

# --- scband reference (transcript-rebuilt; emitter-appended) ---
"""Pipeline reference for scband-correlation-mseloss-292057776798 (READ-ONLY COPY).

The authoritative reference and input builder live on the scoring server;
editing this copy changes nothing except your own understanding.
"""

import jax, jax.numpy as jnp
import numpy as np


def setup_inputs(seed: int = 0) -> dict:
    key = jax.random.key(seed)
    k1, k2 = jax.random.split(key)
    pred = jax.random.normal(k1, (16, 2048), dtype=jnp.float32)
    label = jax.random.randint(k2, (16, 2048), 0, 2).astype(jnp.float32)
    return {"pred": pred, "label": label}


def reference(pred, label):
    # MSE part (torch.nn.MSELoss default reduction='mean')
    mse = jnp.mean((pred - label) ** 2)

    # CorrelationLoss part.
    # Original: for each row i, sum over (k in positives, l in zeros) of
    #   exp(-(pred[i,k] - pred[i,l])) / (n_one * n_zero)
    # This double sum factors exactly:
    #   sum_{k,l} exp(-p_k) * exp(p_l) = (sum_pos exp(-p)) * (sum_zero exp(p))
    pos = (label > 0).astype(jnp.float32)
    neg = (label == 0).astype(jnp.float32)
    n_one = jnp.sum(pos, axis=1)
    n_zero = jnp.sum(neg, axis=1)

    s_pos = jnp.sum(pos * jnp.exp(-pred), axis=1)
    s_neg_exp = jnp.sum(neg * jnp.exp(pred), axis=1)

    loss_both = s_pos * s_neg_exp / jnp.maximum(n_one * n_zero, 1.0)
    # n_one == 0 case: mean over zeros of exp(pred - 1)
    loss_all_zero = jnp.sum(neg * jnp.exp(pred - 1.0), axis=1) / jnp.maximum(n_zero, 1.0)
    # n_zero == 0 case: mean over positives of exp(-pred)
    loss_all_one = jnp.sum(pos * jnp.exp(-pred), axis=1) / jnp.maximum(n_one, 1.0)

    row_loss = jnp.where(n_one == 0, loss_all_zero,
                         jnp.where(n_zero == 0, loss_all_one, loss_both))
    corr = jnp.sum(row_loss)
    return mse + corr

if __name__ == "__main__":
    import jax
    _d = setup_inputs()
    print(jax.jit(kernel)(*tuple(_d.values())))

</pallas_src>

<mosaic_0001>
#map = affine_map<(d0, d1) -> (0, 0)>
#map1 = affine_map<(d0, d1) -> (0)>
module attributes {stable_mosaic.version = 14 : i64} {
  func.func @_corr_mse_kernel(%arg0: i32, %arg1: i32, %arg2: memref<16x2048xf32, #tpu.memory_space<hbm>>, %arg3: memref<16x2048xf32, #tpu.memory_space<hbm>>, %arg4: memref<16xf32, #tpu.memory_space<hbm>>, %arg5: memref<2048xf32, #tpu.memory_space<vmem>>, %arg6: memref<2048xf32, #tpu.memory_space<vmem>>, %arg7: memref<16xf32, #tpu.memory_space<vmem>>, %arg8: memref<256xf32, #tpu.memory_space<vmem>>, %arg9: memref<256xf32, #tpu.memory_space<vmem_shared>>, %arg10: memref<!tpu.dma_semaphore, #tpu.memory_space<semaphore_mem>>, %arg11: memref<!tpu.dma_semaphore, #tpu.memory_space<semaphore_mem>>, %arg12: memref<!tpu.dma_semaphore, #tpu.memory_space<semaphore_mem>>, %arg13: memref<!tpu.dma_semaphore, #tpu.memory_space<semaphore_mem>>) attributes {dimension_semantics = [#tpu.dimension_semantics<core_parallel>, #tpu.dimension_semantics<subcore_parallel>], iteration_bounds = array<i64: 1, 16>, scalar_prefetch = 0 : i64, scratch_operands = 9 : i64, tpu.core_type = #tpu.core_type<sc_vector_subcore>, window_params = [{transform_indices = #map}, {transform_indices = #map}, {transform_indices = #map1}]} {
    %dma_start3A = arith.constant 0 : i32
    %dma_start3A_0 = tpu.memref_slice %arg5[%dma_start3A] : memref<2048xf32, #tpu.memory_space<vmem>> -> memref<1024xf32, #tpu.memory_space<vmem>>
    %dma_start3A_1 = arith.constant 0 : i32
    %dma_start3A_2 = tpu.memref_slice %arg2[%arg1, %dma_start3A_1] : memref<16x2048xf32, #tpu.memory_space<hbm>> -> memref<1x1024xf32, #tpu.memory_space<hbm>>
    %dma_start3A_3 = tpu.memref_squeeze %dma_start3A_2 : memref<1x1024xf32, #tpu.memory_space<hbm>> -> memref<1024xf32, #tpu.memory_space<hbm>>
    %dma_start3A_4 = arith.constant 0 : i32
    %dma_start3A_5 = tpu.memref_slice %arg5[%dma_start3A_4] : memref<2048xf32, #tpu.memory_space<vmem>> -> memref<1024xf32, #tpu.memory_space<vmem>>
    %dma_start3A_6 = arith.constant 0 : i32
    %dma_start3A_7 = tpu.memref_slice %arg2[%arg1, %dma_start3A_6] : memref<16x2048xf32, #tpu.memory_space<hbm>> -> memref<1x1024xf32, #tpu.memory_space<hbm>>
    %dma_start3A_8 = tpu.memref_squeeze %dma_start3A_7 : memref<1x1024xf32, #tpu.memory_space<hbm>> -> memref<1024xf32, #tpu.memory_space<hbm>>
    tpu.enqueue_dma source(%dma_start3A_8 : memref<1024xf32, #tpu.memory_space<hbm>>) target(%dma_start3A_5 : memref<1024xf32, #tpu.memory_space<vmem>>) target_semaphore(%arg10 : memref<!tpu.dma_semaphore, #tpu.memory_space<semaphore_mem>>)
    %dma_start3A_9 = arith.constant 0 : i32
    %dma_start3A_10 = tpu.memref_slice %arg6[%dma_start3A_9] : memref<2048xf32, #tpu.memory_space<vmem>> -> memref<1024xf32, #tpu.memory_space<vmem>>
    %dma_start3A_11 = arith.constant 0 : i32
    %dma_start3A_12 = tpu.memref_slice %arg3[%arg1, %dma_start3A_11] : memref<16x2048xf32, #tpu.memory_space<hbm>> -> memref<1x1024xf32, #tpu.memory_space<hbm>>
    %dma_start3A_13 = tpu.memref_squeeze %dma_start3A_12 : memref<1x1024xf32, #tpu.memory_space<hbm>> -> memref<1024xf32, #tpu.memory_space<hbm>>
    %dma_start3A_14 = arith.constant 0 : i32
    %dma_start3A_15 = tpu.memref_slice %arg6[%dma_start3A_14] : memref<2048xf32, #tpu.memory_space<vmem>> -> memref<1024xf32, #tpu.memory_space<vmem>>
    %dma_start3A_16 = arith.constant 0 : i32
    %dma_start3A_17 = tpu.memref_slice %arg3[%arg1, %dma_start3A_16] : memref<16x2048xf32, #tpu.memory_space<hbm>> -> memref<1x1024xf32, #tpu.memory_space<hbm>>
    %dma_start3A_18 = tpu.memref_squeeze %dma_start3A_17 : memref<1x1024xf32, #tpu.memory_space<hbm>> -> memref<1024xf32, #tpu.memory_space<hbm>>
    tpu.enqueue_dma source(%dma_start3A_18 : memref<1024xf32, #tpu.memory_space<hbm>>) target(%dma_start3A_15 : memref<1024xf32, #tpu.memory_space<vmem>>) target_semaphore(%arg11 : memref<!tpu.dma_semaphore, #tpu.memory_space<semaphore_mem>>)
    %dma_start3A_19 = arith.constant 1024 : i32
    %dma_start3A_20 = tpu.memref_slice %arg5[%dma_start3A_19] : memref<2048xf32, #tpu.memory_space<vmem>> -> memref<1024xf32, #tpu.memory_space<vmem>>
    %dma_start3A_21 = arith.constant 1024 : i32
    %dma_start3A_22 = tpu.memref_slice %arg2[%arg1, %dma_start3A_21] : memref<16x2048xf32, #tpu.memory_space<hbm>> -> memref<1x1024xf32, #tpu.memory_space<hbm>>
    %dma_start3A_23 = tpu.memref_squeeze %dma_start3A_22 : memref<1x1024xf32, #tpu.memory_space<hbm>> -> memref<1024xf32, #tpu.memory_space<hbm>>
    %dma_start3A_24 = arith.constant 1024 : i32
    %dma_start3A_25 = tpu.memref_slice %arg5[%dma_start3A_24] : memref<2048xf32, #tpu.memory_space<vmem>> -> memref<1024xf32, #tpu.memory_space<vmem>>
    %dma_start3A_26 = arith.constant 1024 : i32
    %dma_start3A_27 = tpu.memref_slice %arg2[%arg1, %dma_start3A_26] : memref<16x2048xf32, #tpu.memory_space<hbm>> -> memref<1x1024xf32, #tpu.memory_space<hbm>>
    %dma_start3A_28 = tpu.memref_squeeze %dma_start3A_27 : memref<1x1024xf32, #tpu.memory_space<hbm>> -> memref<1024xf32, #tpu.memory_space<hbm>>
    tpu.enqueue_dma source(%dma_start3A_28 : memref<1024xf32, #tpu.memory_space<hbm>>) target(%dma_start3A_25 : memref<1024xf32, #tpu.memory_space<vmem>>) target_semaphore(%arg12 : memref<!tpu.dma_semaphore, #tpu.memory_space<semaphore_mem>>)
    %dma_start3A_29 = arith.constant 1024 : i32
    %dma_start3A_30 = tpu.memref_slice %arg6[%dma_start3A_29] : memref<2048xf32, #tpu.memory_space<vmem>> -> memref<1024xf32, #tpu.memory_space<vmem>>
    %dma_start3A_31 = arith.constant 1024 : i32
    %dma_start3A_32 = tpu.memref_slice %arg3[%arg1, %dma_start3A_31] : memref<16x2048xf32, #tpu.memory_space<hbm>> -> memref<1x1024xf32, #tpu.memory_space<hbm>>
    %dma_start3A_33 = tpu.memref_squeeze %dma_start3A_32 : memref<1x1024xf32, #tpu.memory_space<hbm>> -> memref<1024xf32, #tpu.memory_space<hbm>>
    %dma_start3A_34 = arith.constant 1024 : i32
    %dma_start3A_35 = tpu.memref_slice %arg6[%dma_start3A_34] : memref<2048xf32, #tpu.memory_space<vmem>> -> memref<1024xf32, #tpu.memory_space<vmem>>
    %dma_start3A_36 = arith.constant 1024 : i32
    %dma_start3A_37 = tpu.memref_slice %arg3[%arg1, %dma_start3A_36] : memref<16x2048xf32, #tpu.memory_space<hbm>> -> memref<1x1024xf32, #tpu.memory_space<hbm>>
    %dma_start3A_38 = tpu.memref_squeeze %dma_start3A_37 : memref<1x1024xf32, #tpu.memory_space<hbm>> -> memref<1024xf32, #tpu.memory_space<hbm>>
    tpu.enqueue_dma source(%dma_start3A_38 : memref<1024xf32, #tpu.memory_space<hbm>>) target(%dma_start3A_35 : memref<1024xf32, #tpu.memory_space<vmem>>) target_semaphore(%arg13 : memref<!tpu.dma_semaphore, #tpu.memory_space<semaphore_mem>>)
    %broadcast_in_dim3A = arith.constant 0.000000e+00 : f32
    %broadcast_in_dim3A_39 = vector.broadcast %broadcast_in_dim3A : f32 to vector<16xf32>
    %dma_wait3A = arith.constant 0 : i32
    %dma_wait3A_40 = tpu.memref_slice %arg5[%dma_wait3A] : memref<2048xf32, #tpu.memory_space<vmem>> -> memref<1024xf32, #tpu.memory_space<vmem>>
    %dma_wait3A_41 = arith.constant 0 : i32
    %dma_wait3A_42 = tpu.memref_slice %arg2[%arg1, %dma_wait3A_41] : memref<16x2048xf32, #tpu.memory_space<hbm>> -> memref<1x1024xf32, #tpu.memory_space<hbm>>
    %dma_wait3A_43 = tpu.memref_squeeze %dma_wait3A_42 : memref<1x1024xf32, #tpu.memory_space<hbm>> -> memref<1024xf32, #tpu.memory_space<hbm>>
    %dma_wait3A_44 = arith.constant 0 : i32
    %dma_wait3A_45 = tpu.memref_slice %arg5[%dma_wait3A_44] : memref<2048xf32, #tpu.memory_space<vmem>> -> memref<1024xf32, #tpu.memory_space<vmem>>
    %dma_wait3A_46 = arith.constant 0 : i32
    %dma_wait3A_47 = tpu.memref_slice %arg2[%arg1, %dma_wait3A_46] : memref<16x2048xf32, #tpu.memory_space<hbm>> -> memref<1x1024xf32, #tpu.memory_space<hbm>>
    %dma_wait3A_48 = tpu.memref_squeeze %dma_wait3A_47 : memref<1x1024xf32, #tpu.memory_space<hbm>> -> memref<1024xf32, #tpu.memory_space<hbm>>
    tpu.wait_dma2 semaphore(%arg10 : memref<!tpu.dma_semaphore, #tpu.memory_space<semaphore_mem>>) src(%dma_wait3A_48 : memref<1024xf32, #tpu.memory_space<hbm>>) dst(%dma_wait3A_45 : memref<1024xf32, #tpu.memory_space<vmem>>)
    %dma_wait3A_49 = arith.constant 0 : i32
    %dma_wait3A_50 = tpu.memref_slice %arg6[%dma_wait3A_49] : memref<2048xf32, #tpu.memory_space<vmem>> -> memref<1024xf32, #tpu.memory_space<vmem>>
    %dma_wait3A_51 = arith.constant 0 : i32
    %dma_wait3A_52 = tpu.memref_slice %arg3[%arg1, %dma_wait3A_51] : memref<16x2048xf32, #tpu.memory_space<hbm>> -> memref<1x1024xf32, #tpu.memory_space<hbm>>
    %dma_wait3A_53 = tpu.memref_squeeze %dma_wait3A_52 : memref<1x1024xf32, #tpu.memory_space<hbm>> -> memref<1024xf32, #tpu.memory_space<hbm>>
    %dma_wait3A_54 = arith.constant 0 : i32
    %dma_wait3A_55 = tpu.memref_slice %arg6[%dma_wait3A_54] : memref<2048xf32, #tpu.memory_space<vmem>> -> memref<1024xf32, #tpu.memory_space<vmem>>
    %dma_wait3A_56 = arith.constant 0 : i32
    %dma_wait3A_57 = tpu.memref_slice %arg3[%arg1, %dma_wait3A_56] : memref<16x2048xf32, #tpu.memory_space<hbm>> -> memref<1x1024xf32, #tpu.memory_space<hbm>>
    %dma_wait3A_58 = tpu.memref_squeeze %dma_wait3A_57 : memref<1x1024xf32, #tpu.memory_space<hbm>> -> memref<1024xf32, #tpu.memory_space<hbm>>
    tpu.wait_dma2 semaphore(%arg11 : memref<!tpu.dma_semaphore, #tpu.memory_space<semaphore_mem>>) src(%dma_wait3A_58 : memref<1024xf32, #tpu.memory_space<hbm>>) dst(%dma_wait3A_55 : memref<1024xf32, #tpu.memory_space<vmem>>)
    %parallel_loop3A = arith.constant 0 : i32
    %parallel_loop3A_59 = arith.constant 64 : i32
    %parallel_loop3A_60 = arith.constant 1 : i32
    %parallel_loop3A_61:4 = scf.for %parallel_loop3A_343 = %parallel_loop3A to %parallel_loop3A_59 step %parallel_loop3A_60 iter_args(%parallel_loop3A_344 = %broadcast_in_dim3A_39, %parallel_loop3A_345 = %broadcast_in_dim3A_39, %parallel_loop3A_346 = %broadcast_in_dim3A_39, %parallel_loop3A_347 = %broadcast_in_dim3A_39) -> (vector<16xf32>, vector<16xf32>, vector<16xf32>, vector<16xf32>)  : i32 {
      %parallel_loop3A_348 = arith.constant 16 : i32
      %parallel_loop3A_349 = arith.muli %parallel_loop3A_343, %parallel_loop3A_348 : i32
      %parallel_loop3A_350 = arith.index_cast %parallel_loop3A_349 : i32 to index
      %parallel_loop3A_351 = tpu.vector_load %arg5[%parallel_loop3A_350] {strides = array<i32>} : memref<2048xf32, #tpu.memory_space<vmem>>, vector<16xf32>,
      %parallel_loop3A_352 = vector.shape_cast %parallel_loop3A_351 : vector<16xf32> to vector<16xf32>
      %parallel_loop3A_353 = arith.index_cast %parallel_loop3A_349 : i32 to index
      %parallel_loop3A_354 = tpu.vector_load %arg6[%parallel_loop3A_353] {strides = array<i32>} : memref<2048xf32, #tpu.memory_space<vmem>>, vector<16xf32>,
      %parallel_loop3A_355 = vector.shape_cast %parallel_loop3A_354 : vector<16xf32> to vector<16xf32>
      %parallel_loop3A_356 = arith.constant 1.000000e+00 : f32
      %parallel_loop3A_357 = vector.broadcast %parallel_loop3A_356 : f32 to vector<16xf32>
      %parallel_loop3A_358 = arith.subf %parallel_loop3A_357, %parallel_loop3A_355 : vector<16xf32>
      %parallel_loop3A_359 = arith.subf %parallel_loop3A_352, %parallel_loop3A_355 : vector<16xf32>
      %parallel_loop3A_360 = arith.subf %parallel_loop3A_358, %parallel_loop3A_355 : vector<16xf32>
      %parallel_loop3A_361 = arith.mulf %parallel_loop3A_352, %parallel_loop3A_360 : vector<16xf32>
      %parallel_loop3A_362 = math.exp %parallel_loop3A_361 : vector<16xf32>
      %parallel_loop3A_363 = arith.mulf %parallel_loop3A_359, %parallel_loop3A_359 : vector<16xf32>
      %parallel_loop3A_364 = arith.addf %parallel_loop3A_344, %parallel_loop3A_363 : vector<16xf32>
      %parallel_loop3A_365 = arith.mulf %parallel_loop3A_355, %parallel_loop3A_362 : vector<16xf32>
      %parallel_loop3A_366 = arith.addf %parallel_loop3A_345, %parallel_loop3A_365 : vector<16xf32>
      %parallel_loop3A_367 = arith.mulf %parallel_loop3A_358, %parallel_loop3A_362 : vector<16xf32>
      %parallel_loop3A_368 = arith.addf %parallel_loop3A_346, %parallel_loop3A_367 : vector<16xf32>
      %parallel_loop3A_369 = arith.addf %parallel_loop3A_347, %parallel_loop3A_355 : vector<16xf32>
      scf.yield %parallel_loop3A_364, %parallel_loop3A_366, %parallel_loop3A_368, %parallel_loop3A_369 : vector<16xf32>, vector<16xf32>, vector<16xf32>, vector<16xf32>
    } {sc.loop_unroll_factor = 8 : i64, sc.parallel_access}
    %dma_wait3A_62 = arith.constant 1024 : i32
    %dma_wait3A_63 = tpu.memref_slice %arg5[%dma_wait3A_62] : memref<2048xf32, #tpu.memory_space<vmem>> -> memref<1024xf32, #tpu.memory_space<vmem>>
    %dma_wait3A_64 = arith.constant 1024 : i32
    %dma_wait3A_65 = tpu.memref_slice %arg2[%arg1, %dma_wait3A_64] : memref<16x2048xf32, #tpu.memory_space<hbm>> -> memref<1x1024xf32, #tpu.memory_space<hbm>>
    %dma_wait3A_66 = tpu.memref_squeeze %dma_wait3A_65 : memref<1x1024xf32, #tpu.memory_space<hbm>> -> memref<1024xf32, #tpu.memory_space<hbm>>
    %dma_wait3A_67 = arith.constant 1024 : i32
    %dma_wait3A_68 = tpu.memref_slice %arg5[%dma_wait3A_67] : memref<2048xf32, #tpu.memory_space<vmem>> -> memref<1024xf32, #tpu.memory_space<vmem>>
    %dma_wait3A_69 = arith.constant 1024 : i32
    %dma_wait3A_70 = tpu.memref_slice %arg2[%arg1, %dma_wait3A_69] : memref<16x2048xf32, #tpu.memory_space<hbm>> -> memref<1x1024xf32, #tpu.memory_space<hbm>>
    %dma_wait3A_71 = tpu.memref_squeeze %dma_wait3A_70 : memref<1x1024xf32, #tpu.memory_space<hbm>> -> memref<1024xf32, #tpu.memory_space<hbm>>
    tpu.wait_dma2 semaphore(%arg12 : memref<!tpu.dma_semaphore, #tpu.memory_space<semaphore_mem>>) src(%dma_wait3A_71 : memref<1024xf32, #tpu.memory_space<hbm>>) dst(%dma_wait3A_68 : memref<1024xf32, #tpu.memory_space<vmem>>)
    %dma_wait3A_72 = arith.constant 1024 : i32
    %dma_wait3A_73 = tpu.memref_slice %arg6[%dma_wait3A_72] : memref<2048xf32, #tpu.memory_space<vmem>> -> memref<1024xf32, #tpu.memory_space<vmem>>
    %dma_wait3A_74 = arith.constant 1024 : i32
    %dma_wait3A_75 = tpu.memref_slice %arg3[%arg1, %dma_wait3A_74] : memref<16x2048xf32, #tpu.memory_space<hbm>> -> memref<1x1024xf32, #tpu.memory_space<hbm>>
    %dma_wait3A_76 = tpu.memref_squeeze %dma_wait3A_75 : memref<1x1024xf32, #tpu.memory_space<hbm>> -> memref<1024xf32, #tpu.memory_space<hbm>>
    %dma_wait3A_77 = arith.constant 1024 : i32
    %dma_wait3A_78 = tpu.memref_slice %arg6[%dma_wait3A_77] : memref<2048xf32, #tpu.memory_space<vmem>> -> memref<1024xf32, #tpu.memory_space<vmem>>
    %dma_wait3A_79 = arith.constant 1024 : i32
    %dma_wait3A_80 = tpu.memref_slice %arg3[%arg1, %dma_wait3A_79] : memref<16x2048xf32, #tpu.memory_space<hbm>> -> memref<1x1024xf32, #tpu.memory_space<hbm>>
    %dma_wait3A_81 = tpu.memref_squeeze %dma_wait3A_80 : memref<1x1024xf32, #tpu.memory_space<hbm>> -> memref<1024xf32, #tpu.memory_space<hbm>>
    tpu.wait_dma2 semaphore(%arg13 : memref<!tpu.dma_semaphore, #tpu.memory_space<semaphore_mem>>) src(%dma_wait3A_81 : memref<1024xf32, #tpu.memory_space<hbm>>) dst(%dma_wait3A_78 : memref<1024xf32, #tpu.memory_space<vmem>>)
    %parallel_loop3A_82 = arith.constant 64 : i32
    %parallel_loop3A_83 = arith.constant 128 : i32
    %parallel_loop3A_84 = arith.constant 1 : i32
    %parallel_loop3A_85:4 = scf.for %parallel_loop3A_343 = %parallel_loop3A_82 to %parallel_loop3A_83 step %parallel_loop3A_84 iter_args(%parallel_loop3A_344 = %parallel_loop3A_61#0, %parallel_loop3A_345 = %parallel_loop3A_61#1, %parallel_loop3A_346 = %parallel_loop3A_61#2, %parallel_loop3A_347 = %parallel_loop3A_61#3) -> (vector<16xf32>, vector<16xf32>, vector<16xf32>, vector<16xf32>)  : i32 {
      %parallel_loop3A_348 = arith.constant 16 : i32
      %parallel_loop3A_349 = arith.muli %parallel_loop3A_343, %parallel_loop3A_348 : i32
      %parallel_loop3A_350 = arith.index_cast %parallel_loop3A_349 : i32 to index
      %parallel_loop3A_351 = tpu.vector_load %arg5[%parallel_loop3A_350] {strides = array<i32>} : memref<2048xf32, #tpu.memory_space<vmem>>, vector<16xf32>,
      %parallel_loop3A_352 = vector.shape_cast %parallel_loop3A_351 : vector<16xf32> to vector<16xf32>
      %parallel_loop3A_353 = arith.index_cast %parallel_loop3A_349 : i32 to index
      %parallel_loop3A_354 = tpu.vector_load %arg6[%parallel_loop3A_353] {strides = array<i32>} : memref<2048xf32, #tpu.memory_space<vmem>>, vector<16xf32>,
      %parallel_loop3A_355 = vector.shape_cast %parallel_loop3A_354 : vector<16xf32> to vector<16xf32>
      %parallel_loop3A_356 = arith.constant 1.000000e+00 : f32
      %parallel_loop3A_357 = vector.broadcast %parallel_loop3A_356 : f32 to vector<16xf32>
      %parallel_loop3A_358 = arith.subf %parallel_loop3A_357, %parallel_loop3A_355 : vector<16xf32>
      %parallel_loop3A_359 = arith.subf %parallel_loop3A_352, %parallel_loop3A_355 : vector<16xf32>
      %parallel_loop3A_360 = arith.subf %parallel_loop3A_358, %parallel_loop3A_355 : vector<16xf32>
      %parallel_loop3A_361 = arith.mulf %parallel_loop3A_352, %parallel_loop3A_360 : vector<16xf32>
      %parallel_loop3A_362 = math.exp %parallel_loop3A_361 : vector<16xf32>
      %parallel_loop3A_363 = arith.mulf %parallel_loop3A_359, %parallel_loop3A_359 : vector<16xf32>
      %parallel_loop3A_364 = arith.addf %parallel_loop3A_344, %parallel_loop3A_363 : vector<16xf32>
      %parallel_loop3A_365 = arith.mulf %parallel_loop3A_355, %parallel_loop3A_362 : vector<16xf32>
      %parallel_loop3A_366 = arith.addf %parallel_loop3A_345, %parallel_loop3A_365 : vector<16xf32>
      %parallel_loop3A_367 = arith.mulf %parallel_loop3A_358, %parallel_loop3A_362 : vector<16xf32>
      %parallel_loop3A_368 = arith.addf %parallel_loop3A_346, %parallel_loop3A_367 : vector<16xf32>
      %parallel_loop3A_369 = arith.addf %parallel_loop3A_347, %parallel_loop3A_355 : vector<16xf32>
      scf.yield %parallel_loop3A_364, %parallel_loop3A_366, %parallel_loop3A_368, %parallel_loop3A_369 : vector<16xf32>, vector<16xf32>, vector<16xf32>, vector<16xf32>
    } {sc.loop_unroll_factor = 8 : i64, sc.parallel_access}
    %iota3A = tpu.iota {dimensions = array<i32: 0>} : vector<16xi32>
    %xor3A = arith.constant 1 : i32
    %xor3A_86 = vector.broadcast %xor3A : i32 to vector<16xi32>
    %xor3A_87 = arith.xori %iota3A, %xor3A_86 : vector<16xi32>
    %lt3A = arith.constant 0 : i32
    %lt3A_88 = vector.broadcast %lt3A : i32 to vector<16xi32>
    %lt3A_89 = arith.cmpi slt, %xor3A_87, %lt3A_88 : vector<16xi32>
    %add3A = arith.constant 16 : i32
    %add3A_90 = vector.broadcast %add3A : i32 to vector<16xi32>
    %add3A_91 = arith.addi %xor3A_87, %add3A_90 : vector<16xi32>
    %select_n3A = arith.select %lt3A_89, %add3A_91, %xor3A_87 : vector<16xi1>, vector<16xi32>
    %broadcast_in_dim3A_92 = vector.shape_cast %select_n3A : vector<16xi32> to vector<16x1xi32>
    %gather3A = vector.shape_cast %broadcast_in_dim3A_92 : vector<16x1xi32> to vector<16xi32>
    %gather3A_93 = tpu.dynamic_gather %parallel_loop3A_85#0[%gather3A] in [0] : vector<16xf32>, vector<16xi32> -> vector<16xf32>
    %add3A_94 = arith.addf %parallel_loop3A_85#0, %gather3A_93 : vector<16xf32>
    %xor3A_95 = arith.constant 2 : i32
    %xor3A_96 = vector.broadcast %xor3A_95 : i32 to vector<16xi32>
    %xor3A_97 = arith.xori %iota3A, %xor3A_96 : vector<16xi32>
    %lt3A_98 = arith.constant 0 : i32
    %lt3A_99 = vector.broadcast %lt3A_98 : i32 to vector<16xi32>
    %lt3A_100 = arith.cmpi slt, %xor3A_97, %lt3A_99 : vector<16xi32>
    %add3A_101 = arith.constant 16 : i32
    %add3A_102 = vector.broadcast %add3A_101 : i32 to vector<16xi32>
    %add3A_103 = arith.addi %xor3A_97, %add3A_102 : vector<16xi32>
    %select_n3A_104 = arith.select %lt3A_100, %add3A_103, %xor3A_97 : vector<16xi1>, vector<16xi32>
    %broadcast_in_dim3A_105 = vector.shape_cast %select_n3A_104 : vector<16xi32> to vector<16x1xi32>
    %gather3A_106 = vector.shape_cast %broadcast_in_dim3A_105 : vector<16x1xi32> to vector<16xi32>
    %gather3A_107 = tpu.dynamic_gather %add3A_94[%gather3A_106] in [0] : vector<16xf32>, vector<16xi32> -> vector<16xf32>
    %add3A_108 = arith.addf %add3A_94, %gather3A_107 : vector<16xf32>
    %xor3A_109 = arith.constant 4 : i32
    %xor3A_110 = vector.broadcast %xor3A_109 : i32 to vector<16xi32>
    %xor3A_111 = arith.xori %iota3A, %xor3A_110 : vector<16xi32>
    %lt3A_112 = arith.constant 0 : i32
    %lt3A_113 = vector.broadcast %lt3A_112 : i32 to vector<16xi32>
    %lt3A_114 = arith.cmpi slt, %xor3A_111, %lt3A_113 : vector<16xi32>
    %add3A_115 = arith.constant 16 : i32
    %add3A_116 = vector.broadcast %add3A_115 : i32 to vector<16xi32>
    %add3A_117 = arith.addi %xor3A_111, %add3A_116 : vector<16xi32>
    %select_n3A_118 = arith.select %lt3A_114, %add3A_117, %xor3A_111 : vector<16xi1>, vector<16xi32>
    %broadcast_in_dim3A_119 = vector.shape_cast %select_n3A_118 : vector<16xi32> to vector<16x1xi32>
    %gather3A_120 = vector.shape_cast %broadcast_in_dim3A_119 : vector<16x1xi32> to vector<16xi32>
    %gather3A_121 = tpu.dynamic_gather %add3A_108[%gather3A_120] in [0] : vector<16xf32>, vector<16xi32> -> vector<16xf32>
    %add3A_122 = arith.addf %add3A_108, %gather3A_121 : vector<16xf32>
    %xor3A_123 = arith.constant 8 : i32
    %xor3A_124 = vector.broadcast %xor3A_123 : i32 to vector<16xi32>
    %xor3A_125 = arith.xori %iota3A, %xor3A_124 : vector<16xi32>
    %lt3A_126 = arith.constant 0 : i32
    %lt3A_127 = vector.broadcast %lt3A_126 : i32 to vector<16xi32>
    %lt3A_128 = arith.cmpi slt, %xor3A_125, %lt3A_127 : vector<16xi32>
    %add3A_129 = arith.constant 16 : i32
    %add3A_130 = vector.broadcast %add3A_129 : i32 to vector<16xi32>
    %add3A_131 = arith.addi %xor3A_125, %add3A_130 : vector<16xi32>
    %select_n3A_132 = arith.select %lt3A_128, %add3A_131, %xor3A_125 : vector<16xi1>, vector<16xi32>
    %broadcast_in_dim3A_133 = vector.shape_cast %select_n3A_132 : vector<16xi32> to vector<16x1xi32>
    %gather3A_134 = vector.shape_cast %broadcast_in_dim3A_133 : vector<16x1xi32> to vector<16xi32>
    %gather3A_135 = tpu.dynamic_gather %add3A_122[%gather3A_134] in [0] : vector<16xf32>, vector<16xi32> -> vector<16xf32>
    %add3A_136 = arith.addf %add3A_122, %gather3A_135 : vector<16xf32>
    %iota3A_137 = tpu.iota {dimensions = array<i32: 0>} : vector<16xi32>
    %xor3A_138 = arith.constant 1 : i32
    %xor3A_139 = vector.broadcast %xor3A_138 : i32 to vector<16xi32>
    %xor3A_140 = arith.xori %iota3A_137, %xor3A_139 : vector<16xi32>
    %lt3A_141 = arith.constant 0 : i32
    %lt3A_142 = vector.broadcast %lt3A_141 : i32 to vector<16xi32>
    %lt3A_143 = arith.cmpi slt, %xor3A_140, %lt3A_142 : vector<16xi32>
    %add3A_144 = arith.constant 16 : i32
    %add3A_145 = vector.broadcast %add3A_144 : i32 to vector<16xi32>
    %add3A_146 = arith.addi %xor3A_140, %add3A_145 : vector<16xi32>
    %select_n3A_147 = arith.select %lt3A_143, %add3A_146, %xor3A_140 : vector<16xi1>, vector<16xi32>
    %broadcast_in_dim3A_148 = vector.shape_cast %select_n3A_147 : vector<16xi32> to vector<16x1xi32>
    %gather3A_149 = vector.shape_cast %broadcast_in_dim3A_148 : vector<16x1xi32> to vector<16xi32>
    %gather3A_150 = tpu.dynamic_gather %parallel_loop3A_85#1[%gather3A_149] in [0] : vector<16xf32>, vector<16xi32> -> vector<16xf32>
    %add3A_151 = arith.addf %parallel_loop3A_85#1, %gather3A_150 : vector<16xf32>
    %xor3A_152 = arith.constant 2 : i32
    %xor3A_153 = vector.broadcast %xor3A_152 : i32 to vector<16xi32>
    %xor3A_154 = arith.xori %iota3A_137, %xor3A_153 : vector<16xi32>
    %lt3A_155 = arith.constant 0 : i32
    %lt3A_156 = vector.broadcast %lt3A_155 : i32 to vector<16xi32>
    %lt3A_157 = arith.cmpi slt, %xor3A_154, %lt3A_156 : vector<16xi32>
    %add3A_158 = arith.constant 16 : i32
    %add3A_159 = vector.broadcast %add3A_158 : i32 to vector<16xi32>
    %add3A_160 = arith.addi %xor3A_154, %add3A_159 : vector<16xi32>
    %select_n3A_161 = arith.select %lt3A_157, %add3A_160, %xor3A_154 : vector<16xi1>, vector<16xi32>
    %broadcast_in_dim3A_162 = vector.shape_cast %select_n3A_161 : vector<16xi32> to vector<16x1xi32>
    %gather3A_163 = vector.shape_cast %broadcast_in_dim3A_162 : vector<16x1xi32> to vector<16xi32>
    %gather3A_164 = tpu.dynamic_gather %add3A_151[%gather3A_163] in [0] : vector<16xf32>, vector<16xi32> -> vector<16xf32>
    %add3A_165 = arith.addf %add3A_151, %gather3A_164 : vector<16xf32>
    %xor3A_166 = arith.constant 4 : i32
    %xor3A_167 = vector.broadcast %xor3A_166 : i32 to vector<16xi32>
    %xor3A_168 = arith.xori %iota3A_137, %xor3A_167 : vector<16xi32>
    %lt3A_169 = arith.constant 0 : i32
    %lt3A_170 = vector.broadcast %lt3A_169 : i32 to vector<16xi32>
    %lt3A_171 = arith.cmpi slt, %xor3A_168, %lt3A_170 : vector<16xi32>
    %add3A_172 = arith.constant 16 : i32
    %add3A_173 = vector.broadcast %add3A_172 : i32 to vector<16xi32>
    %add3A_174 = arith.addi %xor3A_168, %add3A_173 : vector<16xi32>
    %select_n3A_175 = arith.select %lt3A_171, %add3A_174, %xor3A_168 : vector<16xi1>, vector<16xi32>
    %broadcast_in_dim3A_176 = vector.shape_cast %select_n3A_175 : vector<16xi32> to vector<16x1xi32>
    %gather3A_177 = vector.shape_cast %broadcast_in_dim3A_176 : vector<16x1xi32> to vector<16xi32>
    %gather3A_178 = tpu.dynamic_gather %add3A_165[%gather3A_177] in [0] : vector<16xf32>, vector<16xi32> -> vector<16xf32>
    %add3A_179 = arith.addf %add3A_165, %gather3A_178 : vector<16xf32>
    %xor3A_180 = arith.constant 8 : i32
    %xor3A_181 = vector.broadcast %xor3A_180 : i32 to vector<16xi32>
    %xor3A_182 = arith.xori %iota3A_137, %xor3A_181 : vector<16xi32>
    %lt3A_183 = arith.constant 0 : i32
    %lt3A_184 = vector.broadcast %lt3A_183 : i32 to vector<16xi32>
    %lt3A_185 = arith.cmpi slt, %xor3A_182, %lt3A_184 : vector<16xi32>
    %add3A_186 = arith.constant 16 : i32
    %add3A_187 = vector.broadcast %add3A_186 : i32 to vector<16xi32>
    %add3A_188 = arith.addi %xor3A_182, %add3A_187 : vector<16xi32>
    %select_n3A_189 = arith.select %lt3A_185, %add3A_188, %xor3A_182 : vector<16xi1>, vector<16xi32>
    %broadcast_in_dim3A_190 = vector.shape_cast %select_n3A_189 : vector<16xi32> to vector<16x1xi32>
    %gather3A_191 = vector.shape_cast %broadcast_in_dim3A_190 : vector<16x1xi32> to vector<16xi32>
    %gather3A_192 = tpu.dynamic_gather %add3A_179[%gather3A_191] in [0] : vector<16xf32>, vector<16xi32> -> vector<16xf32>
    %add3A_193 = arith.addf %add3A_179, %gather3A_192 : vector<16xf32>
    %iota3A_194 = tpu.iota {dimensions = array<i32: 0>} : vector<16xi32>
    %xor3A_195 = arith.constant 1 : i32
    %xor3A_196 = vector.broadcast %xor3A_195 : i32 to vector<16xi32>
    %xor3A_197 = arith.xori %iota3A_194, %xor3A_196 : vector<16xi32>
    %lt3A_198 = arith.constant 0 : i32
    %lt3A_199 = vector.broadcast %lt3A_198 : i32 to vector<16xi32>
    %lt3A_200 = arith.cmpi slt, %xor3A_197, %lt3A_199 : vector<16xi32>
    %add3A_201 = arith.constant 16 : i32
    %add3A_202 = vector.broadcast %add3A_201 : i32 to vector<16xi32>
    %add3A_203 = arith.addi %xor3A_197, %add3A_202 : vector<16xi32>
    %select_n3A_204 = arith.select %lt3A_200, %add3A_203, %xor3A_197 : vector<16xi1>, vector<16xi32>
    %broadcast_in_dim3A_205 = vector.shape_cast %select_n3A_204 : vector<16xi32> to vector<16x1xi32>
    %gather3A_206 = vector.shape_cast %broadcast_in_dim3A_205 : vector<16x1xi32> to vector<16xi32>
    %gather3A_207 = tpu.dynamic_gather %parallel_loop3A_85#2[%gather3A_206] in [0] : vector<16xf32>, vector<16xi32> -> vector<16xf32>
    %add3A_208 = arith.addf %parallel_loop3A_85#2, %gather3A_207 : vector<16xf32>
    %xor3A_209 = arith.constant 2 : i32
    %xor3A_210 = vector.broadcast %xor3A_209 : i32 to vector<16xi32>
    %xor3A_211 = arith.xori %iota3A_194, %xor3A_210 : vector<16xi32>
    %lt3A_212 = arith.constant 0 : i32
    %lt3A_213 = vector.broadcast %lt3A_212 : i32 to vector<16xi32>
    %lt3A_214 = arith.cmpi slt, %xor3A_211, %lt3A_213 : vector<16xi32>
    %add3A_215 = arith.constant 16 : i32
    %add3A_216 = vector.broadcast %add3A_215 : i32 to vector<16xi32>
    %add3A_217 = arith.addi %xor3A_211, %add3A_216 : vector<16xi32>
    %select_n3A_218 = arith.select %lt3A_214, %add3A_217, %xor3A_211 : vector<16xi1>, vector<16xi32>
    %broadcast_in_dim3A_219 = vector.shape_cast %select_n3A_218 : vector<16xi32> to vector<16x1xi32>
    %gather3A_220 = vector.shape_cast %broadcast_in_dim3A_219 : vector<16x1xi32> to vector<16xi32>
    %gather3A_221 = tpu.dynamic_gather %add3A_208[%gather3A_220] in [0] : vector<16xf32>, vector<16xi32> -> vector<16xf32>
    %add3A_222 = arith.addf %add3A_208, %gather3A_221 : vector<16xf32>
    %xor3A_223 = arith.constant 4 : i32
    %xor3A_224 = vector.broadcast %xor3A_223 : i32 to vector<16xi32>
    %xor3A_225 = arith.xori %iota3A_194, %xor3A_224 : vector<16xi32>
    %lt3A_226 = arith.constant 0 : i32
    %lt3A_227 = vector.broadcast %lt3A_226 : i32 to vector<16xi32>
    %lt3A_228 = arith.cmpi slt, %xor3A_225, %lt3A_227 : vector<16xi32>
    %add3A_229 = arith.constant 16 : i32
    %add3A_230 = vector.broadcast %add3A_229 : i32 to vector<16xi32>
    %add3A_231 = arith.addi %xor3A_225, %add3A_230 : vector<16xi32>
    %select_n3A_232 = arith.select %lt3A_228, %add3A_231, %xor3A_225 : vector<16xi1>, vector<16xi32>
    %broadcast_in_dim3A_233 = vector.shape_cast %select_n3A_232 : vector<16xi32> to vector<16x1xi32>
    %gather3A_234 = vector.shape_cast %broadcast_in_dim3A_233 : vector<16x1xi32> to vector<16xi32>
    %gather3A_235 = tpu.dynamic_gather %add3A_222[%gather3A_234] in [0] : vector<16xf32>, vector<16xi32> -> vector<16xf32>
    %add3A_236 = arith.addf %add3A_222, %gather3A_235 : vector<16xf32>
    %xor3A_237 = arith.constant 8 : i32
    %xor3A_238 = vector.broadcast %xor3A_237 : i32 to vector<16xi32>
    %xor3A_239 = arith.xori %iota3A_194, %xor3A_238 : vector<16xi32>
    %lt3A_240 = arith.constant 0 : i32
    %lt3A_241 = vector.broadcast %lt3A_240 : i32 to vector<16xi32>
    %lt3A_242 = arith.cmpi slt, %xor3A_239, %lt3A_241 : vector<16xi32>
    %add3A_243 = arith.constant 16 : i32
    %add3A_244 = vector.broadcast %add3A_243 : i32 to vector<16xi32>
    %add3A_245 = arith.addi %xor3A_239, %add3A_244 : vector<16xi32>
    %select_n3A_246 = arith.select %lt3A_242, %add3A_245, %xor3A_239 : vector<16xi1>, vector<16xi32>
    %broadcast_in_dim3A_247 = vector.shape_cast %select_n3A_246 : vector<16xi32> to vector<16x1xi32>
    %gather3A_248 = vector.shape_cast %broadcast_in_dim3A_247 : vector<16x1xi32> to vector<16xi32>
    %gather3A_249 = tpu.dynamic_gather %add3A_236[%gather3A_248] in [0] : vector<16xf32>, vector<16xi32> -> vector<16xf32>
    %add3A_250 = arith.addf %add3A_236, %gather3A_249 : vector<16xf32>
    %iota3A_251 = tpu.iota {dimensions = array<i32: 0>} : vector<16xi32>
    %xor3A_252 = arith.constant 1 : i32
    %xor3A_253 = vector.broadcast %xor3A_252 : i32 to vector<16xi32>
    %xor3A_254 = arith.xori %iota3A_251, %xor3A_253 : vector<16xi32>
    %lt3A_255 = arith.constant 0 : i32
    %lt3A_256 = vector.broadcast %lt3A_255 : i32 to vector<16xi32>
    %lt3A_257 = arith.cmpi slt, %xor3A_254, %lt3A_256 : vector<16xi32>
    %add3A_258 = arith.constant 16 : i32
    %add3A_259 = vector.broadcast %add3A_258 : i32 to vector<16xi32>
    %add3A_260 = arith.addi %xor3A_254, %add3A_259 : vector<16xi32>
    %select_n3A_261 = arith.select %lt3A_257, %add3A_260, %xor3A_254 : vector<16xi1>, vector<16xi32>
    %broadcast_in_dim3A_262 = vector.shape_cast %select_n3A_261 : vector<16xi32> to vector<16x1xi32>
    %gather3A_263 = vector.shape_cast %broadcast_in_dim3A_262 : vector<16x1xi32> to vector<16xi32>
    %gather3A_264 = tpu.dynamic_gather %parallel_loop3A_85#3[%gather3A_263] in [0] : vector<16xf32>, vector<16xi32> -> vector<16xf32>
    %add3A_265 = arith.addf %parallel_loop3A_85#3, %gather3A_264 : vector<16xf32>
    %xor3A_266 = arith.constant 2 : i32
    %xor3A_267 = vector.broadcast %xor3A_266 : i32 to vector<16xi32>
    %xor3A_268 = arith.xori %iota3A_251, %xor3A_267 : vector<16xi32>
    %lt3A_269 = arith.constant 0 : i32
    %lt3A_270 = vector.broadcast %lt3A_269 : i32 to vector<16xi32>
    %lt3A_271 = arith.cmpi slt, %xor3A_268, %lt3A_270 : vector<16xi32>
    %add3A_272 = arith.constant 16 : i32
    %add3A_273 = vector.broadcast %add3A_272 : i32 to vector<16xi32>
    %add3A_274 = arith.addi %xor3A_268, %add3A_273 : vector<16xi32>
    %select_n3A_275 = arith.select %lt3A_271, %add3A_274, %xor3A_268 : vector<16xi1>, vector<16xi32>
    %broadcast_in_dim3A_276 = vector.shape_cast %select_n3A_275 : vector<16xi32> to vector<16x1xi32>
    %gather3A_277 = vector.shape_cast %broadcast_in_dim3A_276 : vector<16x1xi32> to vector<16xi32>
    %gather3A_278 = tpu.dynamic_gather %add3A_265[%gather3A_277] in [0] : vector<16xf32>, vector<16xi32> -> vector<16xf32>
    %add3A_279 = arith.addf %add3A_265, %gather3A_278 : vector<16xf32>
    %xor3A_280 = arith.constant 4 : i32
    %xor3A_281 = vector.broadcast %xor3A_280 : i32 to vector<16xi32>
    %xor3A_282 = arith.xori %iota3A_251, %xor3A_281 : vector<16xi32>
    %lt3A_283 = arith.constant 0 : i32
    %lt3A_284 = vector.broadcast %lt3A_283 : i32 to vector<16xi32>
    %lt3A_285 = arith.cmpi slt, %xor3A_282, %lt3A_284 : vector<16xi32>
    %add3A_286 = arith.constant 16 : i32
    %add3A_287 = vector.broadcast %add3A_286 : i32 to vector<16xi32>
    %add3A_288 = arith.addi %xor3A_282, %add3A_287 : vector<16xi32>
    %select_n3A_289 = arith.select %lt3A_285, %add3A_288, %xor3A_282 : vector<16xi1>, vector<16xi32>
    %broadcast_in_dim3A_290 = vector.shape_cast %select_n3A_289 : vector<16xi32> to vector<16x1xi32>
    %gather3A_291 = vector.shape_cast %broadcast_in_dim3A_290 : vector<16x1xi32> to vector<16xi32>
    %gather3A_292 = tpu.dynamic_gather %add3A_279[%gather3A_291] in [0] : vector<16xf32>, vector<16xi32> -> vector<16xf32>
    %add3A_293 = arith.addf %add3A_279, %gather3A_292 : vector<16xf32>
    %xor3A_294 = arith.constant 8 : i32
    %xor3A_295 = vector.broadcast %xor3A_294 : i32 to vector<16xi32>
    %xor3A_296 = arith.xori %iota3A_251, %xor3A_295 : vector<16xi32>
    %lt3A_297 = arith.constant 0 : i32
    %lt3A_298 = vector.broadcast %lt3A_297 : i32 to vector<16xi32>
    %lt3A_299 = arith.cmpi slt, %xor3A_296, %lt3A_298 : vector<16xi32>
    %add3A_300 = arith.constant 16 : i32
    %add3A_301 = vector.broadcast %add3A_300 : i32 to vector<16xi32>
    %add3A_302 = arith.addi %xor3A_296, %add3A_301 : vector<16xi32>
    %select_n3A_303 = arith.select %lt3A_299, %add3A_302, %xor3A_296 : vector<16xi1>, vector<16xi32>
    %broadcast_in_dim3A_304 = vector.shape_cast %select_n3A_303 : vector<16xi32> to vector<16x1xi32>
    %gather3A_305 = vector.shape_cast %broadcast_in_dim3A_304 : vector<16x1xi32> to vector<16xi32>
    %gather3A_306 = tpu.dynamic_gather %add3A_293[%gather3A_305] in [0] : vector<16xf32>, vector<16xi32> -> vector<16xf32>
    %add3A_307 = arith.addf %add3A_293, %gather3A_306 : vector<16xf32>
    %sub3A = arith.constant 2.048000e+03 : f32
    %sub3A_308 = vector.broadcast %sub3A : f32 to vector<16xf32>
    %sub3A_309 = arith.subf %sub3A_308, %add3A_307 : vector<16xf32>
    %mul3A = arith.mulf %add3A_193, %add3A_250 : vector<16xf32>
    %mul3A_310 = arith.mulf %add3A_307, %sub3A_309 : vector<16xf32>
    %max3A = arith.constant 1.000000e+00 : f32
    %max3A_311 = vector.broadcast %max3A : f32 to vector<16xf32>
    %max3A_312 = arith.maximumf %mul3A_310, %max3A_311 : vector<16xf32>
    %div3A = arith.divf %mul3A, %max3A_312 : vector<16xf32>
    %mul3A_313 = arith.constant 0.36787945 : f32
    %mul3A_314 = vector.broadcast %mul3A_313 : f32 to vector<16xf32>
    %mul3A_315 = arith.mulf %add3A_250, %mul3A_314 : vector<16xf32>
    %max3A_316 = arith.constant 1.000000e+00 : f32
    %max3A_317 = vector.broadcast %max3A_316 : f32 to vector<16xf32>
    %max3A_318 = arith.maximumf %sub3A_309, %max3A_317 : vector<16xf32>
    %div3A_319 = arith.divf %mul3A_315, %max3A_318 : vector<16xf32>
    %max3A_320 = arith.constant 1.000000e+00 : f32
    %max3A_321 = vector.broadcast %max3A_320 : f32 to vector<16xf32>
    %max3A_322 = arith.maximumf %add3A_307, %max3A_321 : vector<16xf32>
    %div3A_323 = arith.divf %add3A_193, %max3A_322 : vector<16xf32>
    %eq3A = arith.constant 0.000000e+00 : f32
    %eq3A_324 = vector.broadcast %eq3A : f32 to vector<16xf32>
    %eq3A_325 = arith.cmpf oeq, %add3A_307, %eq3A_324 : vector<16xf32>
    %eq3A_326 = arith.constant 0.000000e+00 : f32
    %eq3A_327 = vector.broadcast %eq3A_326 : f32 to vector<16xf32>
    %eq3A_328 = arith.cmpf oeq, %sub3A_309, %eq3A_327 : vector<16xf32>
    %select_n3A_329 = arith.select %eq3A_328, %div3A_323, %div3A : vector<16xi1>, vector<16xf32>
    %select_n3A_330 = arith.select %eq3A_325, %div3A_319, %select_n3A_329 : vector<16xi1>, vector<16xf32>
    %mul3A_331 = arith.constant 3.05175781E-5 : f32
    %mul3A_332 = vector.broadcast %mul3A_331 : f32 to vector<16xf32>
    %mul3A_333 = arith.mulf %add3A_136, %mul3A_332 : vector<16xf32>
    %add3A_334 = arith.addf %select_n3A_330, %mul3A_333 : vector<16xf32>
    %swap3A = arith.constant 0 : index
    %swap3A_335 = tpu.vector_load %arg7[%swap3A] {strides = array<i32>} : memref<16xf32, #tpu.memory_space<vmem>>, vector<16xf32>,
    %swap3A_336 = vector.shape_cast %swap3A_335 : vector<16xf32> to vector<16xf32>
    %swap3A_337 = vector.shape_cast %add3A_334 : vector<16xf32> to vector<16xf32>
    tpu.vector_store %arg7[%swap3A], %swap3A_337 {strides = array<i32>} : memref<16xf32, #tpu.memory_space<vmem>>, vector<16xf32>,
    %mul3A_338 = arith.constant 16 : i32
    %mul3A_339 = arith.muli %arg1, %mul3A_338 : i32
    "tpu.region"() ({
      %run_scoped3A = tpu.sem_alloc : memref<!tpu.dma_semaphore, #tpu.memory_space<semaphore_mem>>
      %dma_start3A_343 = tpu.memref_slice %arg9[%mul3A_339] : memref<256xf32, #tpu.memory_space<vmem_shared>> -> memref<16xf32, #tpu.memory_space<vmem_shared>>
      %dma_start3A_344 = tpu.memref_slice %arg9[%mul3A_339] : memref<256xf32, #tpu.memory_space<vmem_shared>> -> memref<16xf32, #tpu.memory_space<vmem_shared>>
      tpu.enqueue_dma source(%arg7 : memref<16xf32, #tpu.memory_space<vmem>>) target(%dma_start3A_344 : memref<16xf32, #tpu.memory_space<vmem_shared>>) target_semaphore(%run_scoped3A : memref<!tpu.dma_semaphore, #tpu.memory_space<semaphore_mem>>)
      %dma_wait3A_345 = tpu.memref_slice %arg9[%mul3A_339] : memref<256xf32, #tpu.memory_space<vmem_shared>> -> memref<16xf32, #tpu.memory_space<vmem_shared>>
      %dma_wait3A_346 = tpu.memref_slice %arg9[%mul3A_339] : memref<256xf32, #tpu.memory_space<vmem_shared>> -> memref<16xf32, #tpu.memory_space<vmem_shared>>
      tpu.wait_dma2 semaphore(%run_scoped3A : memref<!tpu.dma_semaphore, #tpu.memory_space<semaphore_mem>>) src(%arg7 : memref<16xf32, #tpu.memory_space<vmem>>) dst(%dma_wait3A_346 : memref<16xf32, #tpu.memory_space<vmem_shared>>)
      tpu.yield
    }) : () -> ()
    %barrier3A = arith.constant 0 : index
    tpu.barrier barrier_id(%barrier3A)
    %eq3A_340 = arith.constant 0 : i32
    %eq3A_341 = arith.cmpi eq, %arg1, %eq3A_340 : i32
    %convert_element_type3A = arith.extui %eq3A_341 : i1 to i32
    %cond3A = arith.constant 0 : i32
    %cond3A_342 = arith.cmpi ne, %convert_element_type3A, %cond3A : i32
    scf.if %cond3A_342 {
      "tpu.region"() ({
        %run_scoped3A = tpu.sem_alloc : memref<!tpu.dma_semaphore, #tpu.memory_space<semaphore_mem>>
        tpu.enqueue_dma source(%arg9 : memref<256xf32, #tpu.memory_space<vmem_shared>>) target(%arg8 : memref<256xf32, #tpu.memory_space<vmem>>) target_semaphore(%run_scoped3A : memref<!tpu.dma_semaphore, #tpu.memory_space<semaphore_mem>>)
        tpu.wait_dma2 semaphore(%run_scoped3A : memref<!tpu.dma_semaphore, #tpu.memory_space<semaphore_mem>>) src(%arg9 : memref<256xf32, #tpu.memory_space<vmem_shared>>) dst(%arg8 : memref<256xf32, #tpu.memory_space<vmem>>)
        tpu.yield
      }) : () -> ()
      %get3A = arith.constant 0 : index
      %get3A_343 = tpu.vector_load %arg8[%get3A] {strides = array<i32>} : memref<256xf32, #tpu.memory_space<vmem>>, vector<16xf32>,
      %get3A_344 = vector.shape_cast %get3A_343 : vector<16xf32> to vector<16xf32>
      %get3A_345 = arith.constant 16 : index
      %get3A_346 = tpu.vector_load %arg8[%get3A_345] {strides = array<i32>} : memref<256xf32, #tpu.memory_space<vmem>>, vector<16xf32>,
      %get3A_347 = vector.shape_cast %get3A_346 : vector<16xf32> to vector<16xf32>
      %add3A_348 = arith.addf %get3A_344, %get3A_347 : vector<16xf32>
      %get3A_349 = arith.constant 32 : index
      %get3A_350 = tpu.vector_load %arg8[%get3A_349] {strides = array<i32>} : memref<256xf32, #tpu.memory_space<vmem>>, vector<16xf32>,
      %get3A_351 = vector.shape_cast %get3A_350 : vector<16xf32> to vector<16xf32>
      %add3A_352 = arith.addf %add3A_348, %get3A_351 : vector<16xf32>
      %get3A_353 = arith.constant 48 : index
      %get3A_354 = tpu.vector_load %arg8[%get3A_353] {strides = array<i32>} : memref<256xf32, #tpu.memory_space<vmem>>, vector<16xf32>,
      %get3A_355 = vector.shape_cast %get3A_354 : vector<16xf32> to vector<16xf32>
      %add3A_356 = arith.addf %add3A_352, %get3A_355 : vector<16xf32>
      %get3A_357 = arith.constant 64 : index
      %get3A_358 = tpu.vector_load %arg8[%get3A_357] {strides = array<i32>} : memref<256xf32, #tpu.memory_space<vmem>>, vector<16xf32>,
      %get3A_359 = vector.shape_cast %get3A_358 : vector<16xf32> to vector<16xf32>
      %add3A_360 = arith.addf %add3A_356, %get3A_359 : vector<16xf32>
      %get3A_361 = arith.constant 80 : index
      %get3A_362 = tpu.vector_load %arg8[%get3A_361] {strides = array<i32>} : memref<256xf32, #tpu.memory_space<vmem>>, vector<16xf32>,
      %get3A_363 = vector.shape_cast %get3A_362 : vector<16xf32> to vector<16xf32>
      %add3A_364 = arith.addf %add3A_360, %get3A_363 : vector<16xf32>
      %get3A_365 = arith.constant 96 : index
      %get3A_366 = tpu.vector_load %arg8[%get3A_365] {strides = array<i32>} : memref<256xf32, #tpu.memory_space<vmem>>, vector<16xf32>,
      %get3A_367 = vector.shape_cast %get3A_366 : vector<16xf32> to vector<16xf32>
      %add3A_368 = arith.addf %add3A_364, %get3A_367 : vector<16xf32>
      %get3A_369 = arith.constant 112 : index
      %get3A_370 = tpu.vector_load %arg8[%get3A_369] {strides = array<i32>} : memref<256xf32, #tpu.memory_space<vmem>>, vector<16xf32>,
      %get3A_371 = vector.shape_cast %get3A_370 : vector<16xf32> to vector<16xf32>
      %add3A_372 = arith.addf %add3A_368, %get3A_371 : vector<16xf32>
      %get3A_373 = arith.constant 128 : index
      %get3A_374 = tpu.vector_load %arg8[%get3A_373] {strides = array<i32>} : memref<256xf32, #tpu.memory_space<vmem>>, vector<16xf32>,
      %get3A_375 = vector.shape_cast %get3A_374 : vector<16xf32> to vector<16xf32>
      %add3A_376 = arith.addf %add3A_372, %get3A_375 : vector<16xf32>
      %get3A_377 = arith.constant 144 : index
      %get3A_378 = tpu.vector_load %arg8[%get3A_377] {strides = array<i32>} : memref<256xf32, #tpu.memory_space<vmem>>, vector<16xf32>,
      %get3A_379 = vector.shape_cast %get3A_378 : vector<16xf32> to vector<16xf32>
      %add3A_380 = arith.addf %add3A_376, %get3A_379 : vector<16xf32>
      %get3A_381 = arith.constant 160 : index
      %get3A_382 = tpu.vector_load %arg8[%get3A_381] {strides = array<i32>} : memref<256xf32, #tpu.memory_space<vmem>>, vector<16xf32>,
      %get3A_383 = vector.shape_cast %get3A_382 : vector<16xf32> to vector<16xf32>
      %add3A_384 = arith.addf %add3A_380, %get3A_383 : vector<16xf32>
      %get3A_385 = arith.constant 176 : index
      %get3A_386 = tpu.vector_load %arg8[%get3A_385] {strides = array<i32>} : memref<256xf32, #tpu.memory_space<vmem>>, vector<16xf32>,
      %get3A_387 = vector.shape_cast %get3A_386 : vector<16xf32> to vector<16xf32>
      %add3A_388 = arith.addf %add3A_384, %get3A_387 : vector<16xf32>
      %get3A_389 = arith.constant 192 : index
      %get3A_390 = tpu.vector_load %arg8[%get3A_389] {strides = array<i32>} : memref<256xf32, #tpu.memory_space<vmem>>, vector<16xf32>,
      %get3A_391 = vector.shape_cast %get3A_390 : vector<16xf32> to vector<16xf32>
      %add3A_392 = arith.addf %add3A_388, %get3A_391 : vector<16xf32>
      %get3A_393 = arith.constant 208 : index
      %get3A_394 = tpu.vector_load %arg8[%get3A_393] {strides = array<i32>} : memref<256xf32, #tpu.memory_space<vmem>>, vector<16xf32>,
      %get3A_395 = vector.shape_cast %get3A_394 : vector<16xf32> to vector<16xf32>
      %add3A_396 = arith.addf %add3A_392, %get3A_395 : vector<16xf32>
      %get3A_397 = arith.constant 224 : index
      %get3A_398 = tpu.vector_load %arg8[%get3A_397] {strides = array<i32>} : memref<256xf32, #tpu.memory_space<vmem>>, vector<16xf32>,
      %get3A_399 = vector.shape_cast %get3A_398 : vector<16xf32> to vector<16xf32>
      %add3A_400 = arith.addf %add3A_396, %get3A_399 : vector<16xf32>
      %get3A_401 = arith.constant 240 : index
      %get3A_402 = tpu.vector_load %arg8[%get3A_401] {strides = array<i32>} : memref<256xf32, #tpu.memory_space<vmem>>, vector<16xf32>,
      %get3A_403 = vector.shape_cast %get3A_402 : vector<16xf32> to vector<16xf32>
      %add3A_404 = arith.addf %add3A_400, %get3A_403 : vector<16xf32>
      %swap3A_405 = arith.constant 0 : index
      %swap3A_406 = tpu.vector_load %arg7[%swap3A_405] {strides = array<i32>} : memref<16xf32, #tpu.memory_space<vmem>>, vector<16xf32>,
      %swap3A_407 = vector.shape_cast %swap3A_406 : vector<16xf32> to vector<16xf32>
      %swap3A_408 = vector.shape_cast %add3A_404 : vector<16xf32> to vector<16xf32>
      tpu.vector_store %arg7[%swap3A_405], %swap3A_408 {strides = array<i32>} : memref<16xf32, #tpu.memory_space<vmem>>, vector<16xf32>,
      "tpu.region"() ({
        %run_scoped3A = tpu.sem_alloc : memref<!tpu.dma_semaphore, #tpu.memory_space<semaphore_mem>>
        tpu.enqueue_dma source(%arg7 : memref<16xf32, #tpu.memory_space<vmem>>) target(%arg4 : memref<16xf32, #tpu.memory_space<hbm>>) target_semaphore(%run_scoped3A : memref<!tpu.dma_semaphore, #tpu.memory_space<semaphore_mem>>)
        tpu.wait_dma2 semaphore(%run_scoped3A : memref<!tpu.dma_semaphore, #tpu.memory_space<semaphore_mem>>) src(%arg7 : memref<16xf32, #tpu.memory_space<vmem>>) dst(%arg4 : memref<16xf32, #tpu.memory_space<hbm>>)
        tpu.yield
      }) : () -> ()
    } else {
    }
    return
  }
}

</mosaic_0001>

<sc_bundles>
// kernel: kernel.3.cloned.1.call-start
scs
__scs_entry_jumppad:
0x0: {  	(pc) =	sbr.rel $0x88, $3  }
0x1: {  	(tag) =	ssettag $0x0;
	lr =	simm.s32 $0x1  }
0x2: {  	[smem:$0x3F9F] =	sst lr;
	_ =	strace $0xD0000000  }
0x3: {  	_ = 	snop  }
0x4: {  	_ = 	snop  }
0x5: {  	_ = 	snop  }
0x6: {  	_ = 	snop  }
0x7: {  	_ = 	snop  }
__scs_overlays_trampoline_lowered:
0x8: {  	[smem:$0x3FAE] =	sst s0  }
0x9: {  	[smem:$0x3FAF] =	sst s1  }
0xa: {  	[smem:$0x3FB0] =	sst s2  }
0xb: {  	[smem:$0x3FB1] =	sst s3  }
0xc: {  	[smem:$0x3FB2] =	sst s4  }
0xd: {  	[smem:$0x3FB3] =	sst s5  }
0xe: {  	[smem:$0x3FB4] =	sst s6  }
0xf: {  	[smem:$0x3FB5] =	sst s7  }
0x10: {  	[smem:$0x3FB6] =	sst s8  }
0x11: {  	[smem:$0x3FB7] =	sst s9;
	s0 =	simm.s32 @!p0 $0x0  }
0x12: {  	s1 =	sld [smem:$0x3F9D];
	s0 =	simm.s32 @p0 $0x1  }
0x13: {  	[smem:$0x3FB8] =	sst s0;
	s0 =	simm.s32 @!p1 $0x0  }
0x14: {  	s2 =	sld [smem:$0x3F9C];
	s0 =	simm.s32 @p1 $0x1  }
0x15: {  	[smem:$0x3FB9] =	sst s0;
	s0 =	simm.s32 @!p2 $0x0  }
0x16: {  	s3 =	sld [smem:$0x3FDB];
	s0 =	simm.s32 @p2 $0x1  }
0x17: {  	s4 =	simm.s32 $0x1BF5;
	[smem:$0x3FBB] =	sst s0  }
0x18: {  	s0 =	sld [smem:$0x3F9E];
	_ =	swait.ge [sflag:s4], $0x0  }
0x19: {  	s7 =	sld [smem:$0x3F9F]  }
0x1a: {  	s8 =	sadd.s32 $0xFFFFE003, lr  }
0x1b: {  	s9 =	sadd.s32 $0xFFFFFEF7, lr;
	s5 =	simm.s32 $0xFFFFFFFF;
	p2 =	slt.u32 s8, $0xFFFFF086  }
0x1c: {  	p1 =	slt.u32 s9, $0xF7A;
	s5 =	simm.s32 @!p2 $0x0  }
0x1d: {  	s5 =	simm.s32 @p1 $0x1;
	p0 =	seq.s32 s7, s2  }
0x1e: {  	s7 =	smul.u32 @!p0 $0xF7A, s2;
	p2 =	seq.s32 @!p0 s5, $0x0  }
0x1f: {  	s9 =	smul.u32 $0xF7A, s1;
	s8 =	simm.s32 @!p0 $0x1BF5;
	p2 =	por !p2, p0  }
0x20: {  	[sflag:s8] =	ssyncset.s32 @!p0 $0xFFFFF086;
	s6 =	sadd.s32 @!p0 s3, s7;
	s7 =	simm.s32 @!p0 $0x108  }
0x21: {  	s3 =	sadd.s32 s3, s9;
	s6 =	sadd.s32 @!p0 $0x88, s6;
	s7 =	simm.s32 @p2 $0x1082  }
0x22: {  	[simem:s7], [sflag:s8] =	dma.local @!p0 [hbm:s6], $0xF7A  }
0x23: {  	s9 =	sor.u32 $0xD0000000, s2;
	s6 =	simm.s32 $0x108;
	_ =	swait.ge @!p0 [sflag:s8], $0x0  }
0x24: {  	s3 =	sadd.s32 $0x88, s3;
	s6 =	simm.s32 @!p1 $0x1082;
	[sflag:s4] =	ssyncset.s32 $0xFFFFF086  }
0x25: {  	[simem:s6], [sflag:s4] =	dma.local [hbm:s3], $0xF7A  }
0x26: {  	[smem:$0x3F9F] =	sst s1;
	(tag) =	ssettag s2;
	_ =	strace s9  }
0x27: {  	s1 =	sld [smem:$0x3FAF]  }
0x28: {  	s2 =	sld [smem:$0x3FB0]  }
0x29: {  	s4 =	sld [smem:$0x3FB2]  }
0x2a: {  	p0 =	seq.s32 s5, $0x0;
	s5 =	sld [smem:$0x3FB3]  }
0x2b: {  	s6 =	sld [smem:$0x3FB4]  }
0x2c: {  	s7 =	sld [smem:$0x3FB5]  }
0x2d: {  	s3 =	simm.s32 $0x108;
	s8 =	sld [smem:$0x3FB6]  }
0x2e: {  	s3 =	simm.s32 @!p0 $0x1082;
	s9 =	sld [smem:$0x3FB7]  }
0x2f: {  	lr =	sadd.s32 s0, s3;
	s0 =	sld [smem:$0x3FAE]  }
0x30: {  	s3 =	sld [smem:$0x3FB1]  }
0x31: {  	[smem:$0x3FBA] =	sst s10  }
0x32: {  	s10 =	sld [smem:$0x3FB8];
	_ =	sdelay $0x3  }
0x33: {  	p0 =	seq.s32 s10, $0x1;
	s10 =	sld [smem:$0x3FBA];
	_ =	sdelay $0x3  }
0x34: {  	[smem:$0x3FBA] =	sst s10  }
0x35: {  	s10 =	sld [smem:$0x3FB9];
	_ =	sdelay $0x3  }
0x36: {  	p1 =	seq.s32 s10, $0x1;
	s10 =	sld [smem:$0x3FBA];
	_ =	sdelay $0x3  }
0x37: {  	[smem:$0x3FBA] =	sst s10  }
0x38: {  	s10 =	sld [smem:$0x3FBB]  }
0x39: {  	_ = 	snop;
	(pc) =	sbr.ind lr, $3  }
0x3a: {  	_ = 	snop  }
0x3b: {  	_ = 	snop  }
0x3c: {  	p2 =	seq.s32 s10, $0x1;
	s10 =	sld [smem:$0x3FBA]  }
0x3d: {  	_ =	shalt  }
0x3e: {  	_ =	shalt  }
0x3f: {  	_ =	shalt  }
0x40: {  	_ =	shalt  }
0x41: {  	_ =	shalt  }
0x42: {  	_ =	shalt  }
0x43: {  	_ =	shalt  }
0x44: {  	_ =	shalt  }
0x45: {  	_ =	shalt  }
0x46: {  	_ =	shalt  }
0x47: {  	_ =	shalt  }
0x48: {  	_ =	shalt  }
0x49: {  	_ =	shalt  }
0x4a: {  	_ =	shalt  }
0x4b: {  	_ =	shalt  }
0x4c: {  	_ =	shalt  }
0x4d: {  	_ =	shalt  }
0x4e: {  	_ =	shalt  }
0x4f: {  	_ =	shalt  }
0x50: {  	_ =	shalt  }
0x51: {  	_ =	shalt  }
0x52: {  	_ =	shalt  }
0x53: {  	_ =	shalt  }
0x54: {  	_ =	shalt  }
0x55: {  	_ =	shalt  }
0x56: {  	_ =	shalt  }
0x57: {  	_ =	shalt  }
0x58: {  	_ =	shalt  }
0x59: {  	_ =	shalt  }
0x5a: {  	_ =	shalt  }
0x5b: {  	_ =	shalt  }
0x5c: {  	_ =	shalt  }
0x5d: {  	_ =	shalt  }
0x5e: {  	_ =	shalt  }
0x5f: {  	_ =	shalt  }
0x60: {  	_ =	shalt  }
0x61: {  	_ =	shalt  }
0x62: {  	_ =	shalt  }
0x63: {  	_ =	shalt  }
0x64: {  	_ =	shalt  }
0x65: {  	_ =	shalt  }
0x66: {  	_ =	shalt  }
0x67: {  	_ =	shalt  }
0x68: {  	_ =	shalt  }
0x69: {  	_ =	shalt  }
0x6a: {  	_ =	shalt  }
0x6b: {  	_ =	shalt  }
0x6c: {  	_ =	shalt  }
0x6d: {  	_ =	shalt  }
0x6e: {  	_ =	shalt  }
0x6f: {  	_ =	shalt  }
0x70: {  	_ =	shalt  }
0x71: {  	_ =	shalt  }
0x72: {  	_ =	shalt  }
0x73: {  	_ =	shalt  }
0x74: {  	_ =	shalt  }
0x75: {  	_ =	shalt  }
0x76: {  	_ =	shalt  }
0x77: {  	_ =	shalt  }
0x78: {  	_ =	shalt  }
0x79: {  	_ =	shalt  }
0x7a: {  	_ =	shalt  }
0x7b: {  	_ =	shalt  }
0x7c: {  	_ =	shalt  }
0x7d: {  	_ =	shalt  }
0x7e: {  	_ =	shalt  }
0x7f: {  	_ =	shalt  }
0x80: {  	_ =	shalt  }
0x81: {  	_ =	shalt  }
0x82: {  	_ =	shalt  }
0x83: {  	_ =	shalt  }
0x84: {  	_ =	shalt  }
0x85: {  	_ =	shalt  }
0x86: {  	_ =	shalt  }
0x87: {  	_ =	shalt  }
.Lfunc_end0:
.L_simem_size_0:
called_computation_lowered:
.L_overlay_start_0:
0x88: {  	s0 =	sld [smem:$0x3FD9]  }
0x89: {  	s1 =	sld [smem:$0x3FFE];
	_ =	sdelay $0x3  }
0x8a: {  	s0 =	sadd.s32 s1, s0  }
0x8b: {  	[smem:$0x3FC6] =	sst s0  }
0x8c: {  	_ = 	snop  }
0x8d: {  	s0 =	sld [smem:$0x3FC9]  }
0x8e: {  	s17 =	sld [smem:$0x3FC8]  }
0x8f: {  	s2 =	sld [smem:$0x3FD0];
	(tm) =	ssettm $0x1  }
0x90: {  	s3 =	sld [smem:$0x3FFB];
	_ =	sdelay $0x3  }
0x91: {  	_ =	strace s3  }
0x92: {  	s3 =	sld [smem:$0x3FFC];
	_ =	sdelay $0x3  }
0x93: {  	_ =	strace s3  }
0x94: {  	s3 =	sld [smem:$0x3FFD];
	_ =	sdelay $0x3  }
0x95: {  	_ =	strace s3  }
0x96: {  	_ =	strace $0x8FFFFFFF  }
0x97: {  	s18 =	sld [smem:$0x3FDB];
	_ =	sdelay $0x1  }
0x98: {  	s4 =	simm.s32 $_scs_section_size  }
0x99: {  	s5 =	simm.s32 $_size__tile_overlayer_lowered;
	s6 =	simm.s32 $_tile_overlayer_lowered  }
0x9a: {  	s21 =	simm.s32 $0x1BFF;
	s20 =	sshll.u32 s6, $0x1;
	s3 =	sadd.s32 s4, s18  }
0x9b: {  	s7 =	simm.s32 $0x0;
	s19 =	sshll.u32 s5, $0x1;
	s5 =	sadd.s32 s20, s3  }
0x9c: {  	[timem:s7], [sflag:s21] =	dma.local [hbm:s5], s19  }
0x9d: {  	_ =	swait.ge [sflag:s21], s19  }
0x9e: {  	s4 =	ssub.s32 $0x0, s19;
	[sflag:s21] =	ssyncset.done $0x0  }
0x9f: {  	[sflag:s21] =	ssyncadd.s32 s4;
	_ =	sdelay $0x1  }
0xa0: {  	s22 =	simm.s32 $0x1B8B  }
0xa1: {  	_ =	swait.ge [sflag:s22], $0x1  }
0xa2: {  	[sflag:s22] =	ssyncset.done $0x0  }
0xa3: {  	s23 =	simm.s32 $0x1B8E;
	[sflag:s22] =	ssyncadd.s32 $0xFFFFFFFF  }
0xa4: {  	s24 =	simm.s32 $execute0_lowered;
	[smem:$0x3FD2] =	sst s23  }
0xa5: {  	s4 =	sshll.u32 s24, $0x1;
	_ =	strace $0x80000046;
	[dreg:$0x1] =	wrdreg $0xFFFFFFFF  }
0xa6: {  	s25 =	simm.s32 $_size_execute0_lowered;
	s3 =	sadd.s32 s3, s4;
	[dreg:$0x0] =	wrdreg $0x0  }
0xa7: {  	s4 =	sshll.u32 s25, $0x1;
	[dreg:$0x2] =	wrdreg s3  }
0xa8: {  	[dreg:$0x3] =	wrdreg s4  }
0xa9: {  	[dreg:$0x4] =	wrdreg $0xC0  }
0xaa: {  	_ =	task [dreg:s7], $0x5FFFF  }
0xab: {  	[dreg:$0x1] =	wrdreg $0xFFFFFFFF  }
0xac: {  	[dreg:$0x0] =	wrdreg $0x60  }
0xad: {  	[dreg:$0x2] =	wrdreg s0  }
0xae: {  	[dreg:$0x3] =	wrdreg s17  }
0xaf: {  	[dreg:$0x4] =	wrdreg s2  }
0xb0: {  	[dreg:$0x5] =	wrdreg $0x11800  }
0xb1: {  	[dreg:$0x6] =	wrdreg $0x9  }
0xb2: {  	_ =	task.clear_ibuf [dreg:s7], $0x7FFFF;
	_ =	strace $0x90000046  }
0xb3: {  	s26 =	simm.s32 $0x9;
	_ =	strace $0x80000048  }
0xb4: {  	_ =	swait.ge [sflag:s26], $0x1  }
0xb5: {  	[sflag:s26] =	ssyncadd.s32 $0xFFFFFFFF  }
0xb6: {  	_ =	strace $0x90000048  }
0xb7: {  	_ =	sfence  }
0xb8: {  	s28 =	sld [smem:$0x0];
	_ =	sdelay $0x1  }
0xb9: {  	s29 =	srdreg.scid  }
0xba: {  	s30 =	sshll.u32 s29, $0xD;
	s31 =	sshrl.u32 s29, $0x2  }
0xbb: {  	s1 =	sand.u32 $0x1, s29;
	s2 =	sand.u32 $0x4000, s30;
	s0 =	sadd.s32 s31, s28  }
0xbc: {  	s1 =	sor.u32 s2, s1;
	s0 =	sshll.u32 s0, $0x11  }
0xbd: {  	s0 =	sor.u32 s0, s1  }
0xbe: {  	s0 =	sadd.s32 $0x8F2B, s0  }
0xbf: {  	[sflag:s0] =	ssyncadd.remote.s32 $0x1  }
0xc0: {  	_ =	sfence.sel $0xFFFF  }
0xc1: {  	[dreg:$0x0] =	wrdreg $0xFFFFFFFF;
	(pc) =	sbr.abs _section_cstart, $3  }
0xc2: {  	[dreg:$0x1] =	wrdreg $0xFFFFFFFF  }
0xc3: {  	_ =	task.clear_ibuf [dreg:s7], $0x2FFFF;
	_ =	strace $0x9FFFFFFF  }
0xc4: {  	(tm) =	ssettm $0x7FFFFFFF  }
0xc5: {  	_ =	shalt  }
tec
execute0_lowered:
.L_overlay_start_1:
0x0: {  	(tag) =	ssettag $0x1  }
0x1: {  	s5 =	rddreg [dreg:$0x0]  }
0x2: {  	s6 =	rddreg [dreg:$0x1]  }
0x3: {  	s1 =	rddreg [dreg:$0x2];
	s3 =	stileid.u32  }
0x4: {  	s2 =	rddreg [dreg:$0x3];
	s8 =	sshll.u32 s3, $0x8;
	s4 =	sshll.u32 s3, $0x4  }
0x5: {  	s0 =	rddreg [dreg:$0x4];
	s7 =	simm.s32 $0x0;
	s8 =	sor.u32 s4, s8  }
0x6: {  	s10 =	simm.s32 $0x80;
	[smem:$0x7FF] =	sst s7;
	s8 =	sand.u32 $0x870, s8  }
0x7: {  	s11 =	simm.s32 $0x400;
	_ =	strace $0x80000047;
	s9 =	sadd.s32 s5, s8  }
0x8: {  	[tilespmem:s7], [sflag:$0x1] =	stream.strided.gather [hbm4b:s9+s10], $0x400, s11, s10, $0x38;
	[tilespmem:$0x1190] =	vst v63  }
0x9: {  	s22 =	simm.s32 $0x800;
	s21 =	sadd.s32 s6, s8;
	s8 =	sor.u32 $0x400, s8  }
0xa: {  	[tilespmem:s22], [sflag:$0x2] =	stream.strided.gather [hbm4b:s21+s10], $0x400, s11, s10, $0x38;
	[tilespmem:$0x1190] =	vst v63  }
0xb: {  	s5 =	sadd.s32 s5, s8  }
0xc: {  	[tilespmem:s11], [sflag:$0x3] =	stream.strided.gather [hbm4b:s5+s10], $0x400, s11, s10, $0x38;
	[tilespmem:$0x1190] =	vst v63  }
0xd: {  	s24 =	simm.s32 $0xC00;
	s25 =	simm.s32 $0x1;
	s23 =	sadd.s32 s6, s8  }
0xe: {  	[tilespmem:s24], [sflag:$0x4] =	stream.strided.gather [hbm4b:s23+s10], $0x400, s11, s10, $0x38;
	[tilespmem:$0x1190] =	vst v63  }
0xf: {  	_ =	swait.ge [sflag:s25], $0x400  }
0x10: {  	[sflag:s25] =	ssyncset.done $0x0  }
0x11: {  	s26 =	simm.s32 $0x2;
	[sflag:s25] =	ssyncadd.s32 $0xFFFFFC00  }
0x12: {  	_ =	swait.ge [sflag:s26], $0x400  }
0x13: {  	[sflag:s26] =	ssyncset.done $0x0  }
0x14: {  	s28 =	simm.s32 $0x0;
	[sflag:s26] =	ssyncadd.s32 $0xFFFFFC00  }
0x15: {  	v0 =	vld [tilespmem:s28+$0x800];
	_ =	sdelay $0x3  }
0x16: {  	v4 =	vld [tilespmem:s28+$0x0]  }
0x17: {  	v1 =	vsub.f32 $1.000000000e+00, v0  }
0x18: {  	s29 =	simm.s32 $0x10  }
0x19: {  	v3 =	vld [tilespmem:s29+$0x800];
	v2 =	vsub.f32 v1, v0;
	_ =	sdelay $0x1  }
0x1a: {  	v2 =	vmul.f32 v2, v4  }
0x1b: {  	s30 =	simm.s32 $0x20;
	v7 =	vld [tilespmem:s29+$0x0]  }
0x1c: {  	v5 =	vmul.f32 $1.442695020e+00, v2;
	v2 =	vld [tilespmem:s30+$0x800]  }
0x1d: {  	v6 =	vsub.f32 $1.000000000e+00, v3  }
0x1e: {  	v10 =	vimm.f32 $0.0e+00;
	(erf) = vpow2.f32 v5  }
0x1f: {  	v8 =	vadd.f32 v0, v10;
	v5 =	vsub.f32 v6, v3  }
0x20: {  	v9 =	vsub.f32 v7, v3;
	v4 =	vsub.f32 v4, v0  }
0x21: {  	v11 =	vadd.f32 v3, v8;
	v5 =	vmul.f32 v5, v7;
	v7 =	vld [tilespmem:s30+$0x0];
	v8 =	vsub.f32 $1.000000000e+00, v2  }
0x22: {  	v4 =	vmul.f32 v4, v4  }
0x23: {  	s31 =	simm.s32 $0x30;
	v5 =	vmul.f32 $1.442695020e+00, v5;
	v15 =	vsub.f32 v8, v2  }
0x24: {  	v12 =	vadd.f32 v4, v10;
	v4 =	vld [tilespmem:s31+$0x800]  }
0x25: {  	v13 =	vmul.f32 v9, v9;
	(erf) = vpow2.f32 v5  }
0x26: {  	v9 =	vadd.f32 v2, v11;
	v5 =	vmul.f32 v15, v7  }
0x27: {  	s5 =	simm.s32 $0x100;
	v11 =	vadd.f32 v13, v12;
	v13 =	vld [tilespmem:s31+$0x0];
	v12 =	vimm.f32 $0.0e+00;
	v14 =	vsub.f32 v7, v2;
	v15 =	vpop (erf)  }
.LBB2_1:
0x28: {  	v5 =	vmul.f32 $1.442695020e+00, v5  }
0x29: {  	s6 =	sshra.s32 s5, $0x2;
	p0 =	sne.s32 s5, $0xFC0;
	s5 =	sadd.s32 $0x40, s5;
	v7 =	vmul.f32 v15, v1;
	v1 =	vmovc v6;
	v6 =	vmovc v8;
	v8 =	vsub.f32 $1.000000000e+00, v4;
	v16 =	vmov v4  }
.Ltmp0:
0x2a: {  	v14 =	vmul.f32 v14, v14;
	v15 =	vmul.f32 v15, v0;
	v0 =	vmovc v3;
	v4 =	vld [tilespmem:s6+$0x800];
	v9 =	vadd.f32 v16, v9;
	(pc) =	sbr.rel @p0 .LBB2_1-.Ltmp0, $4  }
0x2b: {  	v3 =	vmovc v2;
	v2 =	vmovc v16;
	v17 =	vsub.f32 v8, v16;
	(erf) = vpow2.f32 v5;
	v10 =	vadd.f32 v7, v10  }
0x2c: {  	v11 =	vadd.f32 v14, v11;
	v12 =	vadd.f32 v15, v12  }
0x2d: {  	v14 =	vsub.f32 v13, v2;
	v5 =	vmul.f32 v17, v13  }
0x2e: {  	v13 =	vld [tilespmem:s6+$0x0];
	v15 =	vpop (erf)  }
0x2f: {  	v16 =	vsub.f32 $1.000000000e+00, v4;
	_ =	sdelay $0x1  }
0x30: {  	v7 =	vsub.f32 v16, v4;
	_ =	sdelay $0x1  }
0x31: {  	v7 =	vmul.f32 v7, v13  }
0x32: {  	v5 =	vmul.f32 $1.442695020e+00, v5  }
0x33: {  	v7 =	vmul.f32 $1.442695020e+00, v7  }
0x34: {  	(erf) = vpow2.f32 v5  }
0x35: {  	(erf) = vpow2.f32 v7;
	_ =	sdelay $0x6  }
0x36: {  	v17 =	vpop (erf)  }
0x37: {  	v18 =	vpop (erf)  }
0x38: {  	s5 =	simm.s32 $0x3;
	v19 =	vpop (erf)  }
0x39: {  	_ =	swait.ge [sflag:s5], $0x400  }
0x3a: {  	[sflag:s5] =	ssyncset.done $0x0  }
0x3b: {  	s28 =	simm.s32 $0x4;
	[sflag:s5] =	ssyncadd.s32 $0xFFFFFC00  }
0x3c: {  	_ =	swait.ge [sflag:s28], $0x400  }
0x3d: {  	[sflag:s28] =	ssyncset.done $0x0  }
0x3e: {  	s29 =	simm.s32 $0x0;
	[sflag:s28] =	ssyncadd.s32 $0xFFFFFC00  }
0x3f: {  	v5 =	vld [tilespmem:s29+$0xC00];
	_ =	sdelay $0x3  }
0x40: {  	v20 =	vld [tilespmem:s29+$0x400]  }
0x41: {  	v7 =	vsub.f32 $1.000000000e+00, v5  }
0x42: {  	v21 =	vmul.f32 v15, v1  }
0x43: {  	s30 =	simm.s32 $0x10;
	v14 =	vmul.f32 v14, v14;
	v13 =	vsub.f32 v13, v4;
	v22 =	vsub.f32 v7, v5  }
0x44: {  	v0 =	vmul.f32 v15, v0;
	v10 =	vadd.f32 v21, v10;
	v6 =	vmul.f32 v17, v6;
	v1 =	vld [tilespmem:s30+$0xC00]  }
0x45: {  	v11 =	vadd.f32 v14, v11;
	v13 =	vmul.f32 v13, v13;
	v15 =	vmul.f32 v22, v20  }
0x46: {  	v12 =	vadd.f32 v0, v12;
	v3 =	vmul.f32 v17, v3  }
0x47: {  	v10 =	vadd.f32 v6, v10;
	v13 =	vadd.f32 v13, v11;
	v0 =	vmul.f32 $1.442695020e+00, v15  }
0x48: {  	s31 =	simm.s32 $0x20;
	v3 =	vadd.f32 v3, v12;
	v8 =	vmul.f32 v18, v8;
	v2 =	vmul.f32 v18, v2;
	v11 =	vld [tilespmem:s30+$0x400]  }
0x49: {  	v9 =	vadd.f32 v4, v9;
	v6 =	vsub.f32 $1.000000000e+00, v1;
	(erf) = vpow2.f32 v0;
	v0 =	vld [tilespmem:s31+$0xC00]  }
0x4a: {  	v8 =	vadd.f32 v8, v10;
	v3 =	vadd.f32 v2, v3  }
0x4b: {  	v2 =	vsub.f32 v20, v5;
	v10 =	vsub.f32 v6, v1  }
0x4c: {  	v12 =	vmul.f32 v19, v16;
	v9 =	vadd.f32 v5, v9  }
0x4d: {  	v14 =	vld [tilespmem:s31+$0x400];
	v62 =	vsub.f32 v11, v1;
	v10 =	vmul.f32 v10, v11;
	v15 =	vmul.f32 v2, v2  }
0x4e: {  	v4 =	vmul.f32 v19, v4;
	v11 =	vadd.f32 v12, v8;
	v2 =	vsub.f32 $1.000000000e+00, v0  }
0x4f: {  	s6 =	simm.s32 $0x30;
	v8 =	vadd.f32 v1, v9;
	v9 =	vmul.f32 $1.442695020e+00, v10;
	v13 =	vadd.f32 v15, v13  }
0x50: {  	v10 =	vadd.f32 v4, v3;
	v4 =	vld [tilespmem:s6+$0xC00];
	v63 =	vsub.f32 v2, v0  }
0x51: {  	v15 =	vmul.f32 v62, v62;
	(erf) = vpow2.f32 v9  }
0x52: {  	v9 =	vsub.f32 v14, v0;
	v14 =	vmul.f32 v63, v14  }
0x53: {  	s5 =	simm.s32 $0x100;
	v3 =	vadd.f32 v15, v13;
	v12 =	vadd.f32 v0, v8;
	v8 =	vld [tilespmem:s6+$0x400];
	v13 =	vpop (erf)  }
.LBB2_3:
0x54: {  	v14 =	vmul.f32 $1.442695020e+00, v14  }
0x55: {  	s6 =	sshra.s32 s5, $0x2;
	p0 =	sne.s32 s5, $0xFC0;
	s5 =	sadd.s32 $0x40, s5;
	v15 =	vmul.f32 v13, v7;
	v7 =	vmovc v6;
	v6 =	vmovc v2;
	v2 =	vsub.f32 $1.000000000e+00, v4;
	v16 =	vmov v4  }
.Ltmp1:
0x56: {  	v9 =	vmul.f32 v9, v9;
	v13 =	vmul.f32 v13, v5;
	v5 =	vmovc v1;
	v4 =	vld [tilespmem:s6+$0xC00];
	v12 =	vadd.f32 v16, v12;
	(pc) =	sbr.rel @p0 .LBB2_3-.Ltmp1, $4  }
0x57: {  	v1 =	vmovc v0;
	v0 =	vmovc v16;
	v17 =	vsub.f32 v2, v16;
	(erf) = vpow2.f32 v14;
	v11 =	vadd.f32 v15, v11  }
0x58: {  	v3 =	vadd.f32 v9, v3;
	v10 =	vadd.f32 v13, v10  }
0x59: {  	v9 =	vsub.f32 v8, v0;
	v14 =	vmul.f32 v17, v8  }
0x5a: {  	v8 =	vld [tilespmem:s6+$0x400];
	v13 =	vpop (erf)  }
0x5b: {  	v15 =	vsub.f32 $1.000000000e+00, v4  }
0x5c: {  	v14 =	vmul.f32 $1.442695020e+00, v14;
	v7 =	vmul.f32 v13, v7;
	v17 =	vimm.s32 $0xEFCDAB89  }
0x5d: {  	v18 =	vimm.s32 $0x67452301;
	v5 =	vmul.f32 v13, v5;
	v12 =	vadd.f32 v4, v12  }
0x5e: {  	v63 =	vimm.s32 $0xDCFE98BA;
	v58 =	vunpack.c.l.s4.s8 v17;
	v59 =	vunpack.c.l.s4.s8 v18  }
0x5f: {  	v21 =	vimm.s32 $0x54761032;
	v28 =	vimm.s32 $0xBA98FEDC;
	v16 =	vsub.f32 v15, v4  }
0x60: {  	v29 =	vimm.s32 $0x32107654;
	v61 =	vunpack.c.0.s8.s32 v58;
	v62 =	vunpack.c.0.s8.s32 v59  }
0x61: {  	v36 =	vimm.s32 $0xFEDCBA98;
	v23 =	vunpack.c.l.s4.s8 v63;
	v60 =	vmul.f32 v16, v8  }
0x62: {  	v24 =	vunpack.c.l.s4.s8 v21;
	v7 =	vadd.f32 v7, v11;
	v11 =	vcombine.low v62, v61  }
0x63: {  	v38 =	vimm.s32 $0x76543210;
	(erf) = vpow2.f32 v14;
	v14 =	vmul.f32 $1.442695020e+00, v60  }
0x64: {  	v26 =	vunpack.c.0.s8.s32 v23;
	v27 =	vunpack.c.0.s8.s32 v24;
	v25 =	vand.u32 $0xF, v11  }
0x65: {  	v31 =	vunpack.c.l.s4.s8 v28;
	(erf) = vpow2.f32 v14;
	v30 =	vperm.xlane v12, v25  }
0x66: {  	v32 =	vunpack.c.l.s4.s8 v29;
	v5 =	vadd.f32 v5, v10;
	v22 =	vpop (erf);
	v11 =	vcombine.low v27, v26  }
0x67: {  	v34 =	vunpack.c.0.s8.s32 v31;
	v1 =	vmul.f32 v22, v1;
	v33 =	vadd.f32 v30, v12  }
0x68: {  	v35 =	vunpack.c.0.s8.s32 v32;
	v6 =	vmul.f32 v22, v6;
	v11 =	vand.u32 $0xF, v11  }
0x69: {  	v1 =	vadd.f32 v1, v5;
	v5 =	vunpack.c.l.s4.s8 v36;
	v37 =	vperm.xlane v33, v11  }
0x6a: {  	v13 =	vunpack.c.l.s4.s8 v38;
	v12 =	vcombine.low v35, v34  }
0x6b: {  	v6 =	vadd.f32 v6, v7;
	v5 =	vunpack.c.0.s8.s32 v5;
	v7 =	vadd.f32 v37, v33  }
0x6c: {  	v9 =	vmul.f32 v9, v9;
	v13 =	vunpack.c.0.s8.s32 v13;
	v39 =	vpop (erf);
	v12 =	vand.u32 $0xF, v12  }
0x6d: {  	v0 =	vmul.f32 v39, v0;
	v5 =	vand.u32 $0xF, v5;
	v40 =	vperm.xlane v7, v12  }
0x6e: {  	v41 =	vsub.f32 v8, v4;
	v2 =	vmul.f32 v39, v2;
	v5 =	vcombine.low v5, v13;
	v42 =	vpop (erf)  }
0x6f: {  	v0 =	vadd.f32 v0, v1;
	v43 =	vmul.f32 v42, v4;
	v7 =	vadd.f32 v40, v7  }
0x70: {  	v3 =	vadd.f32 v9, v3;
	v2 =	vadd.f32 v2, v6;
	v1 =	vmul.f32 v42, v15  }
0x71: {  	v44 =	vmul.f32 v41, v41;
	v0 =	vadd.f32 v43, v0;
	v45 =	vperm.xlane v7, v5  }
0x72: {  	v1 =	vadd.f32 v1, v2  }
0x73: {  	v46 =	vadd.f32 v44, v3;
	v47 =	vperm.xlane v0, v25;
	v4 =	vadd.f32 v45, v7  }
0x74: {  	v48 =	vperm.xlane v1, v25  }
0x75: {  	v49 =	vperm.xlane v46, v25;
	v0 =	vadd.f32 v47, v0;
	v50 =	vsub.f32 $2.048000000e+03, v4  }
0x76: {  	v1 =	vadd.f32 v48, v1  }
0x77: {  	v2 =	vadd.f32 v49, v46;
	v51 =	vperm.xlane v0, v11;
	v52 =	vmul.f32 v50, v4  }
0x78: {  	v53 =	vperm.xlane v1, v11  }
0x79: {  	v54 =	vperm.xlane v2, v11;
	v0 =	vadd.f32 v51, v0;
	v55 =	vmax.f32 v52, $1.000000000e+00  }
0x7a: {  	v56 =	vmax.f32 v50, $1.000000000e+00;
	v1 =	vadd.f32 v53, v1;
	(erf) = vrcp.f32 v55  }
0x7b: {  	v58 =	vmax.f32 v4, $1.000000000e+00;
	v57 =	vperm.xlane v0, v12;
	(erf) = vrcp.f32 v56  }
0x7c: {  	v8 =	vperm.xlane v1, v12;
	(erf) = vrcp.f32 v58  }
0x7d: {  	v2 =	vadd.f32 v54, v2  }
0x7e: {  	v0 =	vadd.f32 v57, v0;
	v1 =	vadd.f32 v8, v1  }
0x7f: {  	v59 =	vperm.xlane v2, v12  }
0x80: {  	v7 =	vperm.xlane v0, v5;
	v8 =	vperm.xlane v1, v5  }
0x81: {  	v2 =	vadd.f32 v59, v2  }
0x82: {  	v0 =	vadd.f32 v7, v0;
	v1 =	vadd.f32 v8, v1  }
0x83: {  	v60 =	vpop (erf)  }
0x84: {  	v5 =	vperm.xlane v2, v5;
	v7 =	vmul.f32 v1, v0;
	v61 =	vpop (erf)  }
0x85: {  	v1 =	vmul.f32 $3.678794500e-01, v1;
	v62 =	vpop (erf)  }
0x86: {  	v2 =	vadd.f32 v5, v2;
	v63 =	vmul.f32 v60, v7;
	v0 =	vmul.f32 v62, v0  }
0x87: {  	vm0 =	veq.f32 v50, $0.0e+00;
	v1 =	vmul.f32 v61, v1  }
0x88: {  	vm1 =	veq.f32 v4, $0.0e+00;
	v2 =	vmul.f32 $3.051757810e-05, v2;
	v0 =	vsel vm0, v0, v63  }
0x89: {  	v0 =	vsel vm1, v1, v0  }
0x8a: {  	v0 =	vadd.f32 v0, v2;
	_ =	sdelay $0x1  }
0x8b: {  	s4 =	sadd.s32 s4, s2;
	s5 =	simm.s32 $0x1000;
	s31 =	simm.s32 $0x5;
	[tilespmem:$0x1000] =	vst v0  }
0x8c: {  	[spmem:s4] =	stream.linear.scatter [tilespmem:s5], [sflag:$0x5], $0x10, $0x38;
	[tilespmem:$0x1190] =	vst v63  }
0x8d: {  	_ =	swait.ge [sflag:s31], $0x10  }
0x8e: {  	[sflag:s31] =	ssyncset.done $0x0  }
0x8f: {  	[sflag:s31] =	ssyncadd.s32 $0xFFFFFFF0  }
0x90: {  	p0 =	sne.s32 s3, $0x0;
	[bflag:$0x0] =	sbarrier.arrive $0xFFFF  }
0x91: {  	_ =	sfence.sel @p0 $0x180000  }
0x92: {  	[bflag:$0x0] =	sbarrier.arrive @p0 $0xFFFF  }
0x93: {  	_ =	strace @p0 $0x90000047  }
0x94: {  	s3 =	simm.s32 @!p0 $0x1080;
	[bflag:$0x2] =	sbarrier.arrive @p0 $0xFFFF  }
0x95: {  	[tilespmem:s3], [sflag:$0x5] =	stream.linear.gather @!p0 [spmem:s2], $0x100, $0x38;
	[tilespmem:$0x1190] =	vst v63  }
0x96: {  	s2 =	simm.s32 @!p0 $0x5  }
0x97: {  	_ =	swait.ge @!p0 [sflag:s2], $0x100  }
0x98: {  	[sflag:s2] =	ssyncset.done @!p0 $0x0  }
0x99: {  	[sflag:s2] =	ssyncadd.s32 @!p0 $0xFFFFFF00  }
0x9a: {  	v0 =	vld @!p0 [tilespmem:$0x1080]  }
0x9b: {  	v1 =	vld @!p0 [tilespmem:$0x1090];
	_ =	sdelay $0x1  }
0x9c: {  	v2 =	vld @!p0 [tilespmem:$0x10A0];
	_ =	sdelay $0x1  }
0x9d: {  	v3 =	vld @!p0 [tilespmem:$0x10B0]  }
0x9e: {  	v0 =	vadd.f32 @!p0 v1, v0  }
0x9f: {  	v1 =	vld @!p0 [tilespmem:$0x10C0]  }
0xa0: {  	v0 =	vadd.f32 @!p0 v2, v0  }
0xa1: {  	v2 =	vld @!p0 [tilespmem:$0x10D0]  }
0xa2: {  	v0 =	vadd.f32 @!p0 v3, v0  }
0xa3: {  	v3 =	vld @!p0 [tilespmem:$0x10E0]  }
0xa4: {  	v0 =	vadd.f32 @!p0 v1, v0  }
0xa5: {  	v1 =	vld @!p0 [tilespmem:$0x10F0]  }
0xa6: {  	v0 =	vadd.f32 @!p0 v2, v0  }
0xa7: {  	v2 =	vld @!p0 [tilespmem:$0x1100]  }
0xa8: {  	v0 =	vadd.f32 @!p0 v3, v0  }
0xa9: {  	v3 =	vld @!p0 [tilespmem:$0x1110]  }
0xaa: {  	v0 =	vadd.f32 @!p0 v1, v0  }
0xab: {  	v1 =	vld @!p0 [tilespmem:$0x1120]  }
0xac: {  	v0 =	vadd.f32 @!p0 v2, v0  }
0xad: {  	v2 =	vld @!p0 [tilespmem:$0x1130]  }
0xae: {  	v0 =	vadd.f32 @!p0 v3, v0  }
0xaf: {  	v3 =	vld @!p0 [tilespmem:$0x1140]  }
0xb0: {  	v0 =	vadd.f32 @!p0 v1, v0  }
0xb1: {  	v1 =	vld @!p0 [tilespmem:$0x1150]  }
0xb2: {  	v0 =	vadd.f32 @!p0 v2, v0  }
0xb3: {  	v2 =	vld @!p0 [tilespmem:$0x1160]  }
0xb4: {  	v0 =	vadd.f32 @!p0 v3, v0  }
0xb5: {  	v3 =	vld @!p0 [tilespmem:$0x1170]  }
0xb6: {  	v0 =	vadd.f32 @!p0 v1, v0;
	_ =	sdelay $0x1  }
0xb7: {  	v0 =	vadd.f32 @!p0 v2, v0;
	_ =	sdelay $0x1  }
0xb8: {  	v0 =	vadd.f32 @!p0 v3, v0;
	_ =	sdelay $0x1  }
0xb9: {  	s4 =	simm.s32 @!p0 $0x1000;
	s3 =	simm.s32 @!p0 $0x0;
	[tilespmem:$0x1000] =	vst @!p0 v0  }
0xba: {  	[hbm4b:s1+s3] =	stream.linear.scatter @!p0 [tilespmem:s4], [sflag:$0x5], $0x80, $0x38;
	[tilespmem:$0x1190] =	vst v63  }
0xbb: {  	_ =	swait.ge @!p0 [sflag:s2], $0x80  }
0xbc: {  	[sflag:s2] =	ssyncset.done @!p0 $0x0  }
0xbd: {  	[sflag:s2] =	ssyncadd.s32 @!p0 $0xFFFFFF80  }
0xbe: {  	_ =	sfence.sel @!p0 $0x180000  }
0xbf: {  	[bflag:$0x0] =	sbarrier.arrive @!p0 $0xFFFF  }
0xc0: {  	_ =	strace @!p0 $0x90000047  }
0xc1: {  	s0 =	sadd.s32 @!p0 $0x100000, s0;
	[bflag:$0x2] =	sbarrier.arrive @!p0 $0xFFFF  }
0xc2: {  	[sflag:s0] =	ssyncadd.tile.s32 @!p0 $0x1;
	_ =	shalt  }
.Lfunc_end2:
_tile_overlayer_lowered:
.L_overlay_start_2:
0xc3: {  	(tag) =	ssettag $0x2  }
0xc4: {  	s0 =	rddreg [dreg:$0x0];
	s2 =	stileid.u32  }
0xc5: {  	s1 =	rddreg [dreg:$0x1];
	p0 =	sne.s32 s2, $0x0  }
0xc6: {  	s3 =	rddreg [dreg:$0x2];
	[bflag:$0x3] =	sbarrier.arrive $0xFFFF;
	s2 =	simm.s32 @!p0 $0x1C05  }
0xc7: {  	[timem:s3], [sflag:s2] =	dma.local @!p0 [hbm:s0], s1  }
0xc8: {  	s0 =	simm.s32 @!p0 $0x5  }
0xc9: {  	_ =	swait.ge @!p0 [sflag:s0], s1  }
0xca: {  	s1 =	ssub.s32 @!p0 $0x0, s1;
	[sflag:s0] =	ssyncset.done @!p0 $0x0  }
0xcb: {  	[sflag:s0] =	ssyncadd.s32 @!p0 s1  }
0xcc: {  	[bflag:$0x3] =	sbarrier.arrive $0xFFFF  }
0xcd: {  	_ =	shalt  }

</sc_bundles>
